<compile_context>
chip_gen: v7x
topology: tpu7x:2x2x1
jax: 0.10.2.dev20260603
libtpu: 0.0.44.dev20260713+nightly
codegen_flags: <defaults>
</compile_context>

<pallas_src>
import functools

import numpy as np
import jax
import jax.numpy as jnp
from jax import lax
from jax.experimental import pallas as pl
from jax.experimental.pallas import tpu as pltpu
from jax.experimental.pallas import tpu_sc as plsc

_LOG2 = np.float32(np.log(2.0))
_LANE = 128
_KROWS = 23
_NW = 32
_BN = 1024


def _mlp_body(c_ref, w0_ref, b0_ref, w1_ref, b1_ref, o_ref):
    h = lax.dot_general(c_ref[...], w0_ref[...], (((1,), (1,)), ((), ())),
                        preferred_element_type=jnp.float32)
    h = jnp.maximum(h + b0_ref[...], 0.0)
    x = jnp.sum(h * w1_ref[...], axis=1) + b1_ref[0]
    o_ref[...] = x.reshape(o_ref.shape)


def _combine_body(x_ref, p_ref, o_ref):
    o_ref[...] = x_ref[...] + _LOG2 * (p_ref[0] + p_ref[1])


def _make_sc_agg(n_pad, outer):
    chunk = _KROWS * _LANE
    sl = n_pad // 16
    mesh = plsc.VectorSubcoreMesh(core_axis_name="c", subcore_axis_name="s")

    @functools.partial(
        pl.kernel,
        mesh=mesh,
        out_type=jax.ShapeDtypeStruct((2, n_pad), jnp.float32),
        scratch_types=[
            pltpu.VMEM((_KROWS, _LANE), jnp.int32),
            pltpu.VMEM((_KROWS, _LANE), jnp.int32),
            pltpu.VMEM((_LANE,), jnp.float32),
            pltpu.VMEM_SHARED((n_pad,), jnp.float32),
            pltpu.VMEM_SHARED((n_pad,), jnp.float32),
        ],
    )
    def agg(x_hbm, zeros_hbm, row_hbm, col_hbm, out_hbm,
            row_buf, col_buf, vals, xsp, acc):
        c = lax.axis_index("c")
        s = lax.axis_index("s")
        wid = s * 2 + c
        st = s * sl
        pltpu.sync_copy(x_hbm.at[pl.ds(st, sl)], xsp.at[pl.ds(st, sl)])
        pltpu.sync_copy(zeros_hbm.at[pl.ds(st, sl)], acc.at[pl.ds(st, sl)])
        plsc.subcore_barrier()

        def body(it, carry):
            blk = wid * outer + it
            pltpu.sync_copy(row_hbm.at[blk], row_buf)
            pltpu.sync_copy(col_hbm.at[blk], col_buf)
            for j in range(_KROWS):
                pltpu.sync_copy(xsp.at[col_buf.at[j]], vals)
                pltpu.sync_copy(vals, acc.at[row_buf.at[j]], add=True)
            return carry

        lax.fori_loop(0, outer, body, 0)
        plsc.subcore_barrier()
        pltpu.sync_copy(acc.at[pl.ds(st, sl)], out_hbm.at[c, pl.ds(st, sl)])

    del chunk
    return agg


def kernel(coeffs, edge_index, W0, b0, W1, b1):
    n, d = coeffs.shape
    e = edge_index.shape[1]
    n_pad = (n + 1023) // 1024 * 1024
    rows2d = n_pad // _LANE

    chunk = _KROWS * _LANE
    outer = -(-e // (_NW * chunk))
    e_pad = _NW * outer * chunk

    coeffs_p = jnp.pad(coeffs, ((0, n_pad - n), (0, 0)))
    row = edge_index[0]
    col = edge_index[1]
    pad = e_pad - e
    if pad:
        row = jnp.concatenate([row, jnp.full((pad,), n, dtype=jnp.int32)])
        col = jnp.concatenate([col, jnp.zeros((pad,), dtype=jnp.int32)])
    row3 = row.reshape(_NW * outer, _KROWS, _LANE)
    col3 = col.reshape(_NW * outer, _KROWS, _LANE)
    b0_2d = b0.reshape(1, d)

    x2d = pl.pallas_call(
        _mlp_body,
        grid=(n_pad // _BN,),
        in_specs=[
            pl.BlockSpec((_BN, d), lambda i: (i, 0)),
            pl.BlockSpec((d, d), lambda i: (0, 0)),
            pl.BlockSpec((1, d), lambda i: (0, 0)),
            pl.BlockSpec((1, d), lambda i: (0, 0)),
            pl.BlockSpec(memory_space=pltpu.SMEM),
        ],
        out_specs=pl.BlockSpec((_BN // _LANE, _LANE), lambda i: (i, 0)),
        out_shape=jax.ShapeDtypeStruct((rows2d, _LANE), jnp.float32),
    )(coeffs_p, W0, b0_2d, W1, b1)
    x_flat = x2d.reshape(n_pad)

    zeros = jnp.zeros((n_pad,), jnp.float32)
    partials = _make_sc_agg(n_pad, outer)(x_flat, zeros, row3, col3)
    p3d = partials.reshape(2, rows2d, _LANE)

    out2d = pl.pallas_call(
        _combine_body,
        grid=(rows2d // 8,),
        in_specs=[
            pl.BlockSpec((8, _LANE), lambda i: (i, 0)),
            pl.BlockSpec((2, 8, _LANE), lambda i: (0, i, 0)),
        ],
        out_specs=pl.BlockSpec((8, _LANE), lambda i: (i, 0)),
        out_shape=jax.ShapeDtypeStruct((rows2d, _LANE), jnp.float32),
    )(x2d, p3d)
    return out2d.reshape(n_pad)[:n].reshape(n, 1)

# --- scband reference (transcript-rebuilt; emitter-appended) ---
"""Pipeline reference for scband-ro-gpelinear-node-encoder-80281528697034 (READ-ONLY COPY).

The authoritative reference and input builder live on the scoring server;
editing this copy changes nothing except your own understanding.
"""

import jax, jax.numpy as jnp
import numpy as np

N = 100000
E = 3200000
D = 128
LOG2 = np.float32(np.log(2.0))

def _xavier(key, shape):
    fan_out, fan_in = shape
    std = np.float32(np.sqrt(2.0 / (fan_in + fan_out)))
    return jax.random.normal(key, shape, dtype=jnp.float32) * std

def setup_inputs(seed: int = 0):
    key = jax.random.key(seed)
    ks = jax.random.split(key, 4)
    coeffs = jax.random.normal(ks[0], (N, D), dtype=jnp.float32)
    edge_index = jax.random.randint(ks[1], (2, E), 0, N, dtype=jnp.int32)
    W0 = _xavier(ks[2], (D, D))
    b0 = jnp.zeros((D,), dtype=jnp.float32)
    W1 = _xavier(ks[3], (1, D))
    b1 = jnp.zeros((1,), dtype=jnp.float32)
    return {"coeffs": coeffs, "edge_index": edge_index, "W0": W0, "b0": b0, "W1": W1, "b1": b1}

def reference(coeffs, edge_index, W0, b0, W1, b1):
    # MLP angle model: Linear(in,hidden) + ReLU + Linear(hidden,out); n_hidden_layers=0
    h = jnp.maximum(coeffs @ W0.T + b0, 0.0)
    X = h @ W1.T + b1  # [N, 1] rotation angles
    # aggregate_k_hop with k=1: angles += scatter_add(angles[col] * log(2), row)
    row = edge_index[0]
    col = edge_index[1]
    step = jax.ops.segment_sum(X[col] * LOG2, row, num_segments=coeffs.shape[0])
    return X + step

if __name__ == "__main__":
    import jax
    _d = setup_inputs()
    print(jax.jit(kernel)(*tuple(_d.values())))

</pallas_src>

<mosaic_0001>
#map = affine_map<(d0, d1) -> (0)>
#map1 = affine_map<(d0, d1) -> (0, 0, 0)>
#map2 = affine_map<(d0, d1) -> (0, 0)>
module attributes {stable_mosaic.version = 14 : i64} {
  func.func @agg(%arg0: i32, %arg1: i32, %arg2: memref<100352xf32, #tpu.memory_space<hbm>>, %arg3: memref<100352xf32, #tpu.memory_space<hbm>>, %arg4: memref<1088x23x128xi32, #tpu.memory_space<hbm>>, %arg5: memref<1088x23x128xi32, #tpu.memory_space<hbm>>, %arg6: memref<2x100352xf32, #tpu.memory_space<hbm>>, %arg7: memref<23x128xi32, #tpu.memory_space<vmem>>, %arg8: memref<23x128xi32, #tpu.memory_space<vmem>>, %arg9: memref<128xf32, #tpu.memory_space<vmem>>, %arg10: memref<100352xf32, #tpu.memory_space<vmem_shared>>, %arg11: memref<100352xf32, #tpu.memory_space<vmem_shared>>) attributes {dimension_semantics = [#tpu.dimension_semantics<core_parallel>, #tpu.dimension_semantics<subcore_parallel>], iteration_bounds = array<i64: 2, 16>, scalar_prefetch = 0 : i64, scratch_operands = 5 : i64, tpu.core_type = #tpu.core_type<sc_vector_subcore>, window_params = [{transform_indices = #map}, {transform_indices = #map}, {transform_indices = #map1}, {transform_indices = #map1}, {transform_indices = #map2}]} {
    %mul3A = arith.constant 2 : i32
    %mul3A_0 = arith.muli %arg1, %mul3A : i32
    %add3A = arith.addi %mul3A_0, %arg0 : i32
    %mul3A_1 = arith.constant 6272 : i32
    %mul3A_2 = arith.muli %arg1, %mul3A_1 : i32
    "tpu.region"() ({
      %run_scoped3A = tpu.sem_alloc : memref<!tpu.dma_semaphore, #tpu.memory_space<semaphore_mem>>
      %dma_start3A = tpu.memref_slice %arg10[%mul3A_2] : memref<100352xf32, #tpu.memory_space<vmem_shared>> -> memref<6272xf32, #tpu.memory_space<vmem_shared>>
      %dma_start3A_9 = tpu.memref_slice %arg2[%mul3A_2] : memref<100352xf32, #tpu.memory_space<hbm>> -> memref<6272xf32, #tpu.memory_space<hbm>>
      tpu.enqueue_dma source(%dma_start3A_9 : memref<6272xf32, #tpu.memory_space<hbm>>) target(%dma_start3A : memref<6272xf32, #tpu.memory_space<vmem_shared>>) target_semaphore(%run_scoped3A : memref<!tpu.dma_semaphore, #tpu.memory_space<semaphore_mem>>)
      %dma_wait3A = tpu.memref_slice %arg10[%mul3A_2] : memref<100352xf32, #tpu.memory_space<vmem_shared>> -> memref<6272xf32, #tpu.memory_space<vmem_shared>>
      %dma_wait3A_10 = tpu.memref_slice %arg2[%mul3A_2] : memref<100352xf32, #tpu.memory_space<hbm>> -> memref<6272xf32, #tpu.memory_space<hbm>>
      tpu.wait_dma2 semaphore(%run_scoped3A : memref<!tpu.dma_semaphore, #tpu.memory_space<semaphore_mem>>) src(%dma_wait3A_10 : memref<6272xf32, #tpu.memory_space<hbm>>) dst(%dma_wait3A : memref<6272xf32, #tpu.memory_space<vmem_shared>>)
      tpu.yield
    }) : () -> ()
    "tpu.region"() ({
      %run_scoped3A = tpu.sem_alloc : memref<!tpu.dma_semaphore, #tpu.memory_space<semaphore_mem>>
      %dma_start3A = tpu.memref_slice %arg11[%mul3A_2] : memref<100352xf32, #tpu.memory_space<vmem_shared>> -> memref<6272xf32, #tpu.memory_space<vmem_shared>>
      %dma_start3A_9 = tpu.memref_slice %arg3[%mul3A_2] : memref<100352xf32, #tpu.memory_space<hbm>> -> memref<6272xf32, #tpu.memory_space<hbm>>
      tpu.enqueue_dma source(%dma_start3A_9 : memref<6272xf32, #tpu.memory_space<hbm>>) target(%dma_start3A : memref<6272xf32, #tpu.memory_space<vmem_shared>>) target_semaphore(%run_scoped3A : memref<!tpu.dma_semaphore, #tpu.memory_space<semaphore_mem>>)
      %dma_wait3A = tpu.memref_slice %arg11[%mul3A_2] : memref<100352xf32, #tpu.memory_space<vmem_shared>> -> memref<6272xf32, #tpu.memory_space<vmem_shared>>
      %dma_wait3A_10 = tpu.memref_slice %arg3[%mul3A_2] : memref<100352xf32, #tpu.memory_space<hbm>> -> memref<6272xf32, #tpu.memory_space<hbm>>
      tpu.wait_dma2 semaphore(%run_scoped3A : memref<!tpu.dma_semaphore, #tpu.memory_space<semaphore_mem>>) src(%dma_wait3A_10 : memref<6272xf32, #tpu.memory_space<hbm>>) dst(%dma_wait3A : memref<6272xf32, #tpu.memory_space<vmem_shared>>)
      tpu.yield
    }) : () -> ()
    %barrier3A = arith.constant 0 : index
    tpu.barrier barrier_id(%barrier3A)
    %scan3A = arith.constant 0 : i32
    %scan3A_3 = arith.constant 0 : i32
    %scan3A_4 = arith.constant 34 : i32
    %scan3A_5 = arith.addi %scan3A_3, %scan3A_4 : i32
    %scan3A_6 = arith.constant 1 : i32
    scf.for %scan3A_9 = %scan3A_3 to %scan3A_5 step %scan3A_6  : i32 {
      %mul3A_10 = arith.constant 34 : i32
      %mul3A_11 = arith.muli %add3A, %mul3A_10 : i32
      %add3A_12 = arith.addi %mul3A_11, %scan3A_9 : i32
      "tpu.region"() ({
        %run_scoped3A_58 = tpu.sem_alloc : memref<!tpu.dma_semaphore, #tpu.memory_space<semaphore_mem>>
        %dma_start3A = arith.constant 0 : i32
        %dma_start3A_59 = arith.constant 0 : i32
        %dma_start3A_60 = tpu.memref_slice %arg4[%add3A_12, %dma_start3A, %dma_start3A_59] : memref<1088x23x128xi32, #tpu.memory_space<hbm>> -> memref<1x23x128xi32, #tpu.memory_space<hbm>>
        %dma_start3A_61 = tpu.memref_squeeze %dma_start3A_60 : memref<1x23x128xi32, #tpu.memory_space<hbm>> -> memref<23x128xi32, #tpu.memory_space<hbm>>
        %dma_start3A_62 = arith.constant 0 : i32
        %dma_start3A_63 = arith.constant 0 : i32
        %dma_start3A_64 = tpu.memref_slice %arg4[%add3A_12, %dma_start3A_62, %dma_start3A_63] : memref<1088x23x128xi32, #tpu.memory_space<hbm>> -> memref<1x23x128xi32, #tpu.memory_space<hbm>>
        %dma_start3A_65 = tpu.memref_squeeze %dma_start3A_64 : memref<1x23x128xi32, #tpu.memory_space<hbm>> -> memref<23x128xi32, #tpu.memory_space<hbm>>
        tpu.enqueue_dma source(%dma_start3A_65 : memref<23x128xi32, #tpu.memory_space<hbm>>) target(%arg7 : memref<23x128xi32, #tpu.memory_space<vmem>>) target_semaphore(%run_scoped3A_58 : memref<!tpu.dma_semaphore, #tpu.memory_space<semaphore_mem>>)
        %dma_wait3A = arith.constant 0 : i32
        %dma_wait3A_66 = arith.constant 0 : i32
        %dma_wait3A_67 = tpu.memref_slice %arg4[%add3A_12, %dma_wait3A, %dma_wait3A_66] : memref<1088x23x128xi32, #tpu.memory_space<hbm>> -> memref<1x23x128xi32, #tpu.memory_space<hbm>>
        %dma_wait3A_68 = tpu.memref_squeeze %dma_wait3A_67 : memref<1x23x128xi32, #tpu.memory_space<hbm>> -> memref<23x128xi32, #tpu.memory_space<hbm>>
        %dma_wait3A_69 = arith.constant 0 : i32
        %dma_wait3A_70 = arith.constant 0 : i32
        %dma_wait3A_71 = tpu.memref_slice %arg4[%add3A_12, %dma_wait3A_69, %dma_wait3A_70] : memref<1088x23x128xi32, #tpu.memory_space<hbm>> -> memref<1x23x128xi32, #tpu.memory_space<hbm>>
        %dma_wait3A_72 = tpu.memref_squeeze %dma_wait3A_71 : memref<1x23x128xi32, #tpu.memory_space<hbm>> -> memref<23x128xi32, #tpu.memory_space<hbm>>
        tpu.wait_dma2 semaphore(%run_scoped3A_58 : memref<!tpu.dma_semaphore, #tpu.memory_space<semaphore_mem>>) src(%dma_wait3A_72 : memref<23x128xi32, #tpu.memory_space<hbm>>) dst(%arg7 : memref<23x128xi32, #tpu.memory_space<vmem>>)
        tpu.yield
      }) : () -> ()
      "tpu.region"() ({
        %run_scoped3A_58 = tpu.sem_alloc : memref<!tpu.dma_semaphore, #tpu.memory_space<semaphore_mem>>
        %dma_start3A = arith.constant 0 : i32
        %dma_start3A_59 = arith.constant 0 : i32
        %dma_start3A_60 = tpu.memref_slice %arg5[%add3A_12, %dma_start3A, %dma_start3A_59] : memref<1088x23x128xi32, #tpu.memory_space<hbm>> -> memref<1x23x128xi32, #tpu.memory_space<hbm>>
        %dma_start3A_61 = tpu.memref_squeeze %dma_start3A_60 : memref<1x23x128xi32, #tpu.memory_space<hbm>> -> memref<23x128xi32, #tpu.memory_space<hbm>>
        %dma_start3A_62 = arith.constant 0 : i32
        %dma_start3A_63 = arith.constant 0 : i32
        %dma_start3A_64 = tpu.memref_slice %arg5[%add3A_12, %dma_start3A_62, %dma_start3A_63] : memref<1088x23x128xi32, #tpu.memory_space<hbm>> -> memref<1x23x128xi32, #tpu.memory_space<hbm>>
        %dma_start3A_65 = tpu.memref_squeeze %dma_start3A_64 : memref<1x23x128xi32, #tpu.memory_space<hbm>> -> memref<23x128xi32, #tpu.memory_space<hbm>>
        tpu.enqueue_dma source(%dma_start3A_65 : memref<23x128xi32, #tpu.memory_space<hbm>>) target(%arg8 : memref<23x128xi32, #tpu.memory_space<vmem>>) target_semaphore(%run_scoped3A_58 : memref<!tpu.dma_semaphore, #tpu.memory_space<semaphore_mem>>)
        %dma_wait3A = arith.constant 0 : i32
        %dma_wait3A_66 = arith.constant 0 : i32
        %dma_wait3A_67 = tpu.memref_slice %arg5[%add3A_12, %dma_wait3A, %dma_wait3A_66] : memref<1088x23x128xi32, #tpu.memory_space<hbm>> -> memref<1x23x128xi32, #tpu.memory_space<hbm>>
        %dma_wait3A_68 = tpu.memref_squeeze %dma_wait3A_67 : memref<1x23x128xi32, #tpu.memory_space<hbm>> -> memref<23x128xi32, #tpu.memory_space<hbm>>
        %dma_wait3A_69 = arith.constant 0 : i32
        %dma_wait3A_70 = arith.constant 0 : i32
        %dma_wait3A_71 = tpu.memref_slice %arg5[%add3A_12, %dma_wait3A_69, %dma_wait3A_70] : memref<1088x23x128xi32, #tpu.memory_space<hbm>> -> memref<1x23x128xi32, #tpu.memory_space<hbm>>
        %dma_wait3A_72 = tpu.memref_squeeze %dma_wait3A_71 : memref<1x23x128xi32, #tpu.memory_space<hbm>> -> memref<23x128xi32, #tpu.memory_space<hbm>>
        tpu.wait_dma2 semaphore(%run_scoped3A_58 : memref<!tpu.dma_semaphore, #tpu.memory_space<semaphore_mem>>) src(%dma_wait3A_72 : memref<23x128xi32, #tpu.memory_space<hbm>>) dst(%arg8 : memref<23x128xi32, #tpu.memory_space<vmem>>)
        tpu.yield
      }) : () -> ()
      %run_scoped3A = arith.constant 0 : i32
      "tpu.region"() ({
        %run_scoped3A_58 = tpu.sem_alloc : memref<!tpu.dma_semaphore, #tpu.memory_space<semaphore_mem>>
        %dma_start3A = arith.constant 0 : i32
        %dma_start3A_59 = tpu.memref_slice %arg8[%run_scoped3A, %dma_start3A] : memref<23x128xi32, #tpu.memory_space<vmem>> -> memref<1x128xi32, #tpu.memory_space<vmem>>
        %dma_start3A_60 = tpu.memref_squeeze %dma_start3A_59 : memref<1x128xi32, #tpu.memory_space<vmem>> -> memref<128xi32, #tpu.memory_space<vmem>>
        %dma_start3A_61 = arith.constant 0 : i32
        %dma_start3A_62 = tpu.memref_slice %arg10[%dma_start3A_61] : memref<100352xf32, #tpu.memory_space<vmem_shared>> -> memref<100352xf32, #tpu.memory_space<vmem_shared>>
        tpu.enqueue_indirect_dma source(%dma_start3A_62 : memref<100352xf32, #tpu.memory_space<vmem_shared>>) target(%arg9 : memref<128xf32, #tpu.memory_space<vmem>>) offsets(%dma_start3A_60 : memref<128xi32, #tpu.memory_space<vmem>>) semaphore(%run_scoped3A_58 : memref<!tpu.dma_semaphore, #tpu.memory_space<semaphore_mem>>)
        %dma_wait3A = arith.constant 0 : i32
        %dma_wait3A_63 = tpu.memref_slice %arg8[%run_scoped3A, %dma_wait3A] : memref<23x128xi32, #tpu.memory_space<vmem>> -> memref<1x128xi32, #tpu.memory_space<vmem>>
        %dma_wait3A_64 = tpu.memref_squeeze %dma_wait3A_63 : memref<1x128xi32, #tpu.memory_space<vmem>> -> memref<128xi32, #tpu.memory_space<vmem>>
        %dma_wait3A_65 = arith.constant 0 : i32
        %dma_wait3A_66 = tpu.memref_slice %arg10[%dma_wait3A_65] : memref<100352xf32, #tpu.memory_space<vmem_shared>> -> memref<100352xf32, #tpu.memory_space<vmem_shared>>
        tpu.wait_indirect_dma semaphore(%run_scoped3A_58 : memref<!tpu.dma_semaphore, #tpu.memory_space<semaphore_mem>>) src(%dma_wait3A_66 : memref<100352xf32, #tpu.memory_space<vmem_shared>>) dst(%arg9 : memref<128xf32, #tpu.memory_space<vmem>>)
        tpu.yield
      }) : () -> ()
      %run_scoped3A_13 = arith.constant 0 : i32
      "tpu.region"() ({
        %run_scoped3A_58 = tpu.sem_alloc : memref<!tpu.dma_semaphore, #tpu.memory_space<semaphore_mem>>
        %dma_start3A = arith.constant 0 : i32
        %dma_start3A_59 = tpu.memref_slice %arg7[%run_scoped3A_13, %dma_start3A] : memref<23x128xi32, #tpu.memory_space<vmem>> -> memref<1x128xi32, #tpu.memory_space<vmem>>
        %dma_start3A_60 = tpu.memref_squeeze %dma_start3A_59 : memref<1x128xi32, #tpu.memory_space<vmem>> -> memref<128xi32, #tpu.memory_space<vmem>>
        %dma_start3A_61 = arith.constant 0 : i32
        %dma_start3A_62 = tpu.memref_slice %arg11[%dma_start3A_61] : memref<100352xf32, #tpu.memory_space<vmem_shared>> -> memref<100352xf32, #tpu.memory_space<vmem_shared>>
        tpu.enqueue_indirect_dma source(%arg9 : memref<128xf32, #tpu.memory_space<vmem>>) target(%dma_start3A_62 : memref<100352xf32, #tpu.memory_space<vmem_shared>>) offsets(%dma_start3A_60 : memref<128xi32, #tpu.memory_space<vmem>>) semaphore(%run_scoped3A_58 : memref<!tpu.dma_semaphore, #tpu.memory_space<semaphore_mem>>) {add = true}
        %dma_wait3A = arith.constant 0 : i32
        %dma_wait3A_63 = tpu.memref_slice %arg7[%run_scoped3A_13, %dma_wait3A] : memref<23x128xi32, #tpu.memory_space<vmem>> -> memref<1x128xi32, #tpu.memory_space<vmem>>
        %dma_wait3A_64 = tpu.memref_squeeze %dma_wait3A_63 : memref<1x128xi32, #tpu.memory_space<vmem>> -> memref<128xi32, #tpu.memory_space<vmem>>
        %dma_wait3A_65 = arith.constant 0 : i32
        %dma_wait3A_66 = tpu.memref_slice %arg11[%dma_wait3A_65] : memref<100352xf32, #tpu.memory_space<vmem_shared>> -> memref<100352xf32, #tpu.memory_space<vmem_shared>>
        tpu.wait_indirect_dma semaphore(%run_scoped3A_58 : memref<!tpu.dma_semaphore, #tpu.memory_space<semaphore_mem>>) src(%arg9 : memref<128xf32, #tpu.memory_space<vmem>>) dst(%dma_wait3A_66 : memref<100352xf32, #tpu.memory_space<vmem_shared>>)
        tpu.yield
      }) : () -> ()
      %run_scoped3A_14 = arith.constant 1 : i32
      "tpu.region"() ({
        %run_scoped3A_58 = tpu.sem_alloc : memref<!tpu.dma_semaphore, #tpu.memory_space<semaphore_mem>>
        %dma_start3A = arith.constant 0 : i32
        %dma_start3A_59 = tpu.memref_slice %arg8[%run_scoped3A_14, %dma_start3A] : memref<23x128xi32, #tpu.memory_space<vmem>> -> memref<1x128xi32, #tpu.memory_space<vmem>>
        %dma_start3A_60 = tpu.memref_squeeze %dma_start3A_59 : memref<1x128xi32, #tpu.memory_space<vmem>> -> memref<128xi32, #tpu.memory_space<vmem>>
        %dma_start3A_61 = arith.constant 0 : i32
        %dma_start3A_62 = tpu.memref_slice %arg10[%dma_start3A_61] : memref<100352xf32, #tpu.memory_space<vmem_shared>> -> memref<100352xf32, #tpu.memory_space<vmem_shared>>
        tpu.enqueue_indirect_dma source(%dma_start3A_62 : memref<100352xf32, #tpu.memory_space<vmem_shared>>) target(%arg9 : memref<128xf32, #tpu.memory_space<vmem>>) offsets(%dma_start3A_60 : memref<128xi32, #tpu.memory_space<vmem>>) semaphore(%run_scoped3A_58 : memref<!tpu.dma_semaphore, #tpu.memory_space<semaphore_mem>>)
        %dma_wait3A = arith.constant 0 : i32
        %dma_wait3A_63 = tpu.memref_slice %arg8[%run_scoped3A_14, %dma_wait3A] : memref<23x128xi32, #tpu.memory_space<vmem>> -> memref<1x128xi32, #tpu.memory_space<vmem>>
        %dma_wait3A_64 = tpu.memref_squeeze %dma_wait3A_63 : memref<1x128xi32, #tpu.memory_space<vmem>> -> memref<128xi32, #tpu.memory_space<vmem>>
        %dma_wait3A_65 = arith.constant 0 : i32
        %dma_wait3A_66 = tpu.memref_slice %arg10[%dma_wait3A_65] : memref<100352xf32, #tpu.memory_space<vmem_shared>> -> memref<100352xf32, #tpu.memory_space<vmem_shared>>
        tpu.wait_indirect_dma semaphore(%run_scoped3A_58 : memref<!tpu.dma_semaphore, #tpu.memory_space<semaphore_mem>>) src(%dma_wait3A_66 : memref<100352xf32, #tpu.memory_space<vmem_shared>>) dst(%arg9 : memref<128xf32, #tpu.memory_space<vmem>>)
        tpu.yield
      }) : () -> ()
      %run_scoped3A_15 = arith.constant 1 : i32
      "tpu.region"() ({
        %run_scoped3A_58 = tpu.sem_alloc : memref<!tpu.dma_semaphore, #tpu.memory_space<semaphore_mem>>
        %dma_start3A = arith.constant 0 : i32
        %dma_start3A_59 = tpu.memref_slice %arg7[%run_scoped3A_15, %dma_start3A] : memref<23x128xi32, #tpu.memory_space<vmem>> -> memref<1x128xi32, #tpu.memory_space<vmem>>
        %dma_start3A_60 = tpu.memref_squeeze %dma_start3A_59 : memref<1x128xi32, #tpu.memory_space<vmem>> -> memref<128xi32, #tpu.memory_space<vmem>>
        %dma_start3A_61 = arith.constant 0 : i32
        %dma_start3A_62 = tpu.memref_slice %arg11[%dma_start3A_61] : memref<100352xf32, #tpu.memory_space<vmem_shared>> -> memref<100352xf32, #tpu.memory_space<vmem_shared>>
        tpu.enqueue_indirect_dma source(%arg9 : memref<128xf32, #tpu.memory_space<vmem>>) target(%dma_start3A_62 : memref<100352xf32, #tpu.memory_space<vmem_shared>>) offsets(%dma_start3A_60 : memref<128xi32, #tpu.memory_space<vmem>>) semaphore(%run_scoped3A_58 : memref<!tpu.dma_semaphore, #tpu.memory_space<semaphore_mem>>) {add = true}
        %dma_wait3A = arith.constant 0 : i32
        %dma_wait3A_63 = tpu.memref_slice %arg7[%run_scoped3A_15, %dma_wait3A] : memref<23x128xi32, #tpu.memory_space<vmem>> -> memref<1x128xi32, #tpu.memory_space<vmem>>
        %dma_wait3A_64 = tpu.memref_squeeze %dma_wait3A_63 : memref<1x128xi32, #tpu.memory_space<vmem>> -> memref<128xi32, #tpu.memory_space<vmem>>
        %dma_wait3A_65 = arith.constant 0 : i32
        %dma_wait3A_66 = tpu.memref_slice %arg11[%dma_wait3A_65] : memref<100352xf32, #tpu.memory_space<vmem_shared>> -> memref<100352xf32, #tpu.memory_space<vmem_shared>>
        tpu.wait_indirect_dma semaphore(%run_scoped3A_58 : memref<!tpu.dma_semaphore, #tpu.memory_space<semaphore_mem>>) src(%arg9 : memref<128xf32, #tpu.memory_space<vmem>>) dst(%dma_wait3A_66 : memref<100352xf32, #tpu.memory_space<vmem_shared>>)
        tpu.yield
      }) : () -> ()
      %run_scoped3A_16 = arith.constant 2 : i32
      "tpu.region"() ({
        %run_scoped3A_58 = tpu.sem_alloc : memref<!tpu.dma_semaphore, #tpu.memory_space<semaphore_mem>>
        %dma_start3A = arith.constant 0 : i32
        %dma_start3A_59 = tpu.memref_slice %arg8[%run_scoped3A_16, %dma_start3A] : memref<23x128xi32, #tpu.memory_space<vmem>> -> memref<1x128xi32, #tpu.memory_space<vmem>>
        %dma_start3A_60 = tpu.memref_squeeze %dma_start3A_59 : memref<1x128xi32, #tpu.memory_space<vmem>> -> memref<128xi32, #tpu.memory_space<vmem>>
        %dma_start3A_61 = arith.constant 0 : i32
        %dma_start3A_62 = tpu.memref_slice %arg10[%dma_start3A_61] : memref<100352xf32, #tpu.memory_space<vmem_shared>> -> memref<100352xf32, #tpu.memory_space<vmem_shared>>
        tpu.enqueue_indirect_dma source(%dma_start3A_62 : memref<100352xf32, #tpu.memory_space<vmem_shared>>) target(%arg9 : memref<128xf32, #tpu.memory_space<vmem>>) offsets(%dma_start3A_60 : memref<128xi32, #tpu.memory_space<vmem>>) semaphore(%run_scoped3A_58 : memref<!tpu.dma_semaphore, #tpu.memory_space<semaphore_mem>>)
        %dma_wait3A = arith.constant 0 : i32
        %dma_wait3A_63 = tpu.memref_slice %arg8[%run_scoped3A_16, %dma_wait3A] : memref<23x128xi32, #tpu.memory_space<vmem>> -> memref<1x128xi32, #tpu.memory_space<vmem>>
        %dma_wait3A_64 = tpu.memref_squeeze %dma_wait3A_63 : memref<1x128xi32, #tpu.memory_space<vmem>> -> memref<128xi32, #tpu.memory_space<vmem>>
        %dma_wait3A_65 = arith.constant 0 : i32
        %dma_wait3A_66 = tpu.memref_slice %arg10[%dma_wait3A_65] : memref<100352xf32, #tpu.memory_space<vmem_shared>> -> memref<100352xf32, #tpu.memory_space<vmem_shared>>
        tpu.wait_indirect_dma semaphore(%run_scoped3A_58 : memref<!tpu.dma_semaphore, #tpu.memory_space<semaphore_mem>>) src(%dma_wait3A_66 : memref<100352xf32, #tpu.memory_space<vmem_shared>>) dst(%arg9 : memref<128xf32, #tpu.memory_space<vmem>>)
        tpu.yield
      }) : () -> ()
      %run_scoped3A_17 = arith.constant 2 : i32
      "tpu.region"() ({
        %run_scoped3A_58 = tpu.sem_alloc : memref<!tpu.dma_semaphore, #tpu.memory_space<semaphore_mem>>
        %dma_start3A = arith.constant 0 : i32
        %dma_start3A_59 = tpu.memref_slice %arg7[%run_scoped3A_17, %dma_start3A] : memref<23x128xi32, #tpu.memory_space<vmem>> -> memref<1x128xi32, #tpu.memory_space<vmem>>
        %dma_start3A_60 = tpu.memref_squeeze %dma_start3A_59 : memref<1x128xi32, #tpu.memory_space<vmem>> -> memref<128xi32, #tpu.memory_space<vmem>>
        %dma_start3A_61 = arith.constant 0 : i32
        %dma_start3A_62 = tpu.memref_slice %arg11[%dma_start3A_61] : memref<100352xf32, #tpu.memory_space<vmem_shared>> -> memref<100352xf32, #tpu.memory_space<vmem_shared>>
        tpu.enqueue_indirect_dma source(%arg9 : memref<128xf32, #tpu.memory_space<vmem>>) target(%dma_start3A_62 : memref<100352xf32, #tpu.memory_space<vmem_shared>>) offsets(%dma_start3A_60 : memref<128xi32, #tpu.memory_space<vmem>>) semaphore(%run_scoped3A_58 : memref<!tpu.dma_semaphore, #tpu.memory_space<semaphore_mem>>) {add = true}
        %dma_wait3A = arith.constant 0 : i32
        %dma_wait3A_63 = tpu.memref_slice %arg7[%run_scoped3A_17, %dma_wait3A] : memref<23x128xi32, #tpu.memory_space<vmem>> -> memref<1x128xi32, #tpu.memory_space<vmem>>
        %dma_wait3A_64 = tpu.memref_squeeze %dma_wait3A_63 : memref<1x128xi32, #tpu.memory_space<vmem>> -> memref<128xi32, #tpu.memory_space<vmem>>
        %dma_wait3A_65 = arith.constant 0 : i32
        %dma_wait3A_66 = tpu.memref_slice %arg11[%dma_wait3A_65] : memref<100352xf32, #tpu.memory_space<vmem_shared>> -> memref<100352xf32, #tpu.memory_space<vmem_shared>>
        tpu.wait_indirect_dma semaphore(%run_scoped3A_58 : memref<!tpu.dma_semaphore, #tpu.memory_space<semaphore_mem>>) src(%arg9 : memref<128xf32, #tpu.memory_space<vmem>>) dst(%dma_wait3A_66 : memref<100352xf32, #tpu.memory_space<vmem_shared>>)
        tpu.yield
      }) : () -> ()
      %run_scoped3A_18 = arith.constant 3 : i32
      "tpu.region"() ({
        %run_scoped3A_58 = tpu.sem_alloc : memref<!tpu.dma_semaphore, #tpu.memory_space<semaphore_mem>>
        %dma_start3A = arith.constant 0 : i32
        %dma_start3A_59 = tpu.memref_slice %arg8[%run_scoped3A_18, %dma_start3A] : memref<23x128xi32, #tpu.memory_space<vmem>> -> memref<1x128xi32, #tpu.memory_space<vmem>>
        %dma_start3A_60 = tpu.memref_squeeze %dma_start3A_59 : memref<1x128xi32, #tpu.memory_space<vmem>> -> memref<128xi32, #tpu.memory_space<vmem>>
        %dma_start3A_61 = arith.constant 0 : i32
        %dma_start3A_62 = tpu.memref_slice %arg10[%dma_start3A_61] : memref<100352xf32, #tpu.memory_space<vmem_shared>> -> memref<100352xf32, #tpu.memory_space<vmem_shared>>
        tpu.enqueue_indirect_dma source(%dma_start3A_62 : memref<100352xf32, #tpu.memory_space<vmem_shared>>) target(%arg9 : memref<128xf32, #tpu.memory_space<vmem>>) offsets(%dma_start3A_60 : memref<128xi32, #tpu.memory_space<vmem>>) semaphore(%run_scoped3A_58 : memref<!tpu.dma_semaphore, #tpu.memory_space<semaphore_mem>>)
        %dma_wait3A = arith.constant 0 : i32
        %dma_wait3A_63 = tpu.memref_slice %arg8[%run_scoped3A_18, %dma_wait3A] : memref<23x128xi32, #tpu.memory_space<vmem>> -> memref<1x128xi32, #tpu.memory_space<vmem>>
        %dma_wait3A_64 = tpu.memref_squeeze %dma_wait3A_63 : memref<1x128xi32, #tpu.memory_space<vmem>> -> memref<128xi32, #tpu.memory_space<vmem>>
        %dma_wait3A_65 = arith.constant 0 : i32
        %dma_wait3A_66 = tpu.memref_slice %arg10[%dma_wait3A_65] : memref<100352xf32, #tpu.memory_space<vmem_shared>> -> memref<100352xf32, #tpu.memory_space<vmem_shared>>
        tpu.wait_indirect_dma semaphore(%run_scoped3A_58 : memref<!tpu.dma_semaphore, #tpu.memory_space<semaphore_mem>>) src(%dma_wait3A_66 : memref<100352xf32, #tpu.memory_space<vmem_shared>>) dst(%arg9 : memref<128xf32, #tpu.memory_space<vmem>>)
        tpu.yield
      }) : () -> ()
      %run_scoped3A_19 = arith.constant 3 : i32
      "tpu.region"() ({
        %run_scoped3A_58 = tpu.sem_alloc : memref<!tpu.dma_semaphore, #tpu.memory_space<semaphore_mem>>
        %dma_start3A = arith.constant 0 : i32
        %dma_start3A_59 = tpu.memref_slice %arg7[%run_scoped3A_19, %dma_start3A] : memref<23x128xi32, #tpu.memory_space<vmem>> -> memref<1x128xi32, #tpu.memory_space<vmem>>
        %dma_start3A_60 = tpu.memref_squeeze %dma_start3A_59 : memref<1x128xi32, #tpu.memory_space<vmem>> -> memref<128xi32, #tpu.memory_space<vmem>>
        %dma_start3A_61 = arith.constant 0 : i32
        %dma_start3A_62 = tpu.memref_slice %arg11[%dma_start3A_61] : memref<100352xf32, #tpu.memory_space<vmem_shared>> -> memref<100352xf32, #tpu.memory_space<vmem_shared>>
        tpu.enqueue_indirect_dma source(%arg9 : memref<128xf32, #tpu.memory_space<vmem>>) target(%dma_start3A_62 : memref<100352xf32, #tpu.memory_space<vmem_shared>>) offsets(%dma_start3A_60 : memref<128xi32, #tpu.memory_space<vmem>>) semaphore(%run_scoped3A_58 : memref<!tpu.dma_semaphore, #tpu.memory_space<semaphore_mem>>) {add = true}
        %dma_wait3A = arith.constant 0 : i32
        %dma_wait3A_63 = tpu.memref_slice %arg7[%run_scoped3A_19, %dma_wait3A] : memref<23x128xi32, #tpu.memory_space<vmem>> -> memref<1x128xi32, #tpu.memory_space<vmem>>
        %dma_wait3A_64 = tpu.memref_squeeze %dma_wait3A_63 : memref<1x128xi32, #tpu.memory_space<vmem>> -> memref<128xi32, #tpu.memory_space<vmem>>
        %dma_wait3A_65 = arith.constant 0 : i32
        %dma_wait3A_66 = tpu.memref_slice %arg11[%dma_wait3A_65] : memref<100352xf32, #tpu.memory_space<vmem_shared>> -> memref<100352xf32, #tpu.memory_space<vmem_shared>>
        tpu.wait_indirect_dma semaphore(%run_scoped3A_58 : memref<!tpu.dma_semaphore, #tpu.memory_space<semaphore_mem>>) src(%arg9 : memref<128xf32, #tpu.memory_space<vmem>>) dst(%dma_wait3A_66 : memref<100352xf32, #tpu.memory_space<vmem_shared>>)
        tpu.yield
      }) : () -> ()
      %run_scoped3A_20 = arith.constant 4 : i32
      "tpu.region"() ({
        %run_scoped3A_58 = tpu.sem_alloc : memref<!tpu.dma_semaphore, #tpu.memory_space<semaphore_mem>>
        %dma_start3A = arith.constant 0 : i32
        %dma_start3A_59 = tpu.memref_slice %arg8[%run_scoped3A_20, %dma_start3A] : memref<23x128xi32, #tpu.memory_space<vmem>> -> memref<1x128xi32, #tpu.memory_space<vmem>>
        %dma_start3A_60 = tpu.memref_squeeze %dma_start3A_59 : memref<1x128xi32, #tpu.memory_space<vmem>> -> memref<128xi32, #tpu.memory_space<vmem>>
        %dma_start3A_61 = arith.constant 0 : i32
        %dma_start3A_62 = tpu.memref_slice %arg10[%dma_start3A_61] : memref<100352xf32, #tpu.memory_space<vmem_shared>> -> memref<100352xf32, #tpu.memory_space<vmem_shared>>
        tpu.enqueue_indirect_dma source(%dma_start3A_62 : memref<100352xf32, #tpu.memory_space<vmem_shared>>) target(%arg9 : memref<128xf32, #tpu.memory_space<vmem>>) offsets(%dma_start3A_60 : memref<128xi32, #tpu.memory_space<vmem>>) semaphore(%run_scoped3A_58 : memref<!tpu.dma_semaphore, #tpu.memory_space<semaphore_mem>>)
        %dma_wait3A = arith.constant 0 : i32
        %dma_wait3A_63 = tpu.memref_slice %arg8[%run_scoped3A_20, %dma_wait3A] : memref<23x128xi32, #tpu.memory_space<vmem>> -> memref<1x128xi32, #tpu.memory_space<vmem>>
        %dma_wait3A_64 = tpu.memref_squeeze %dma_wait3A_63 : memref<1x128xi32, #tpu.memory_space<vmem>> -> memref<128xi32, #tpu.memory_space<vmem>>
        %dma_wait3A_65 = arith.constant 0 : i32
        %dma_wait3A_66 = tpu.memref_slice %arg10[%dma_wait3A_65] : memref<100352xf32, #tpu.memory_space<vmem_shared>> -> memref<100352xf32, #tpu.memory_space<vmem_shared>>
        tpu.wait_indirect_dma semaphore(%run_scoped3A_58 : memref<!tpu.dma_semaphore, #tpu.memory_space<semaphore_mem>>) src(%dma_wait3A_66 : memref<100352xf32, #tpu.memory_space<vmem_shared>>) dst(%arg9 : memref<128xf32, #tpu.memory_space<vmem>>)
        tpu.yield
      }) : () -> ()
      %run_scoped3A_21 = arith.constant 4 : i32
      "tpu.region"() ({
        %run_scoped3A_58 = tpu.sem_alloc : memref<!tpu.dma_semaphore, #tpu.memory_space<semaphore_mem>>
        %dma_start3A = arith.constant 0 : i32
        %dma_start3A_59 = tpu.memref_slice %arg7[%run_scoped3A_21, %dma_start3A] : memref<23x128xi32, #tpu.memory_space<vmem>> -> memref<1x128xi32, #tpu.memory_space<vmem>>
        %dma_start3A_60 = tpu.memref_squeeze %dma_start3A_59 : memref<1x128xi32, #tpu.memory_space<vmem>> -> memref<128xi32, #tpu.memory_space<vmem>>
        %dma_start3A_61 = arith.constant 0 : i32
        %dma_start3A_62 = tpu.memref_slice %arg11[%dma_start3A_61] : memref<100352xf32, #tpu.memory_space<vmem_shared>> -> memref<100352xf32, #tpu.memory_space<vmem_shared>>
        tpu.enqueue_indirect_dma source(%arg9 : memref<128xf32, #tpu.memory_space<vmem>>) target(%dma_start3A_62 : memref<100352xf32, #tpu.memory_space<vmem_shared>>) offsets(%dma_start3A_60 : memref<128xi32, #tpu.memory_space<vmem>>) semaphore(%run_scoped3A_58 : memref<!tpu.dma_semaphore, #tpu.memory_space<semaphore_mem>>) {add = true}
        %dma_wait3A = arith.constant 0 : i32
        %dma_wait3A_63 = tpu.memref_slice %arg7[%run_scoped3A_21, %dma_wait3A] : memref<23x128xi32, #tpu.memory_space<vmem>> -> memref<1x128xi32, #tpu.memory_space<vmem>>
        %dma_wait3A_64 = tpu.memref_squeeze %dma_wait3A_63 : memref<1x128xi32, #tpu.memory_space<vmem>> -> memref<128xi32, #tpu.memory_space<vmem>>
        %dma_wait3A_65 = arith.constant 0 : i32
        %dma_wait3A_66 = tpu.memref_slice %arg11[%dma_wait3A_65] : memref<100352xf32, #tpu.memory_space<vmem_shared>> -> memref<100352xf32, #tpu.memory_space<vmem_shared>>
        tpu.wait_indirect_dma semaphore(%run_scoped3A_58 : memref<!tpu.dma_semaphore, #tpu.memory_space<semaphore_mem>>) src(%arg9 : memref<128xf32, #tpu.memory_space<vmem>>) dst(%dma_wait3A_66 : memref<100352xf32, #tpu.memory_space<vmem_shared>>)
        tpu.yield
      }) : () -> ()
      %run_scoped3A_22 = arith.constant 5 : i32
      "tpu.region"() ({
        %run_scoped3A_58 = tpu.sem_alloc : memref<!tpu.dma_semaphore, #tpu.memory_space<semaphore_mem>>
        %dma_start3A = arith.constant 0 : i32
        %dma_start3A_59 = tpu.memref_slice %arg8[%run_scoped3A_22, %dma_start3A] : memref<23x128xi32, #tpu.memory_space<vmem>> -> memref<1x128xi32, #tpu.memory_space<vmem>>
        %dma_start3A_60 = tpu.memref_squeeze %dma_start3A_59 : memref<1x128xi32, #tpu.memory_space<vmem>> -> memref<128xi32, #tpu.memory_space<vmem>>
        %dma_start3A_61 = arith.constant 0 : i32
        %dma_start3A_62 = tpu.memref_slice %arg10[%dma_start3A_61] : memref<100352xf32, #tpu.memory_space<vmem_shared>> -> memref<100352xf32, #tpu.memory_space<vmem_shared>>
        tpu.enqueue_indirect_dma source(%dma_start3A_62 : memref<100352xf32, #tpu.memory_space<vmem_shared>>) target(%arg9 : memref<128xf32, #tpu.memory_space<vmem>>) offsets(%dma_start3A_60 : memref<128xi32, #tpu.memory_space<vmem>>) semaphore(%run_scoped3A_58 : memref<!tpu.dma_semaphore, #tpu.memory_space<semaphore_mem>>)
        %dma_wait3A = arith.constant 0 : i32
        %dma_wait3A_63 = tpu.memref_slice %arg8[%run_scoped3A_22, %dma_wait3A] : memref<23x128xi32, #tpu.memory_space<vmem>> -> memref<1x128xi32, #tpu.memory_space<vmem>>
        %dma_wait3A_64 = tpu.memref_squeeze %dma_wait3A_63 : memref<1x128xi32, #tpu.memory_space<vmem>> -> memref<128xi32, #tpu.memory_space<vmem>>
        %dma_wait3A_65 = arith.constant 0 : i32
        %dma_wait3A_66 = tpu.memref_slice %arg10[%dma_wait3A_65] : memref<100352xf32, #tpu.memory_space<vmem_shared>> -> memref<100352xf32, #tpu.memory_space<vmem_shared>>
        tpu.wait_indirect_dma semaphore(%run_scoped3A_58 : memref<!tpu.dma_semaphore, #tpu.memory_space<semaphore_mem>>) src(%dma_wait3A_66 : memref<100352xf32, #tpu.memory_space<vmem_shared>>) dst(%arg9 : memref<128xf32, #tpu.memory_space<vmem>>)
        tpu.yield
      }) : () -> ()
      %run_scoped3A_23 = arith.constant 5 : i32
      "tpu.region"() ({
        %run_scoped3A_58 = tpu.sem_alloc : memref<!tpu.dma_semaphore, #tpu.memory_space<semaphore_mem>>
        %dma_start3A = arith.constant 0 : i32
        %dma_start3A_59 = tpu.memref_slice %arg7[%run_scoped3A_23, %dma_start3A] : memref<23x128xi32, #tpu.memory_space<vmem>> -> memref<1x128xi32, #tpu.memory_space<vmem>>
        %dma_start3A_60 = tpu.memref_squeeze %dma_start3A_59 : memref<1x128xi32, #tpu.memory_space<vmem>> -> memref<128xi32, #tpu.memory_space<vmem>>
        %dma_start3A_61 = arith.constant 0 : i32
        %dma_start3A_62 = tpu.memref_slice %arg11[%dma_start3A_61] : memref<100352xf32, #tpu.memory_space<vmem_shared>> -> memref<100352xf32, #tpu.memory_space<vmem_shared>>
        tpu.enqueue_indirect_dma source(%arg9 : memref<128xf32, #tpu.memory_space<vmem>>) target(%dma_start3A_62 : memref<100352xf32, #tpu.memory_space<vmem_shared>>) offsets(%dma_start3A_60 : memref<128xi32, #tpu.memory_space<vmem>>) semaphore(%run_scoped3A_58 : memref<!tpu.dma_semaphore, #tpu.memory_space<semaphore_mem>>) {add = true}
        %dma_wait3A = arith.constant 0 : i32
        %dma_wait3A_63 = tpu.memref_slice %arg7[%run_scoped3A_23, %dma_wait3A] : memref<23x128xi32, #tpu.memory_space<vmem>> -> memref<1x128xi32, #tpu.memory_space<vmem>>
        %dma_wait3A_64 = tpu.memref_squeeze %dma_wait3A_63 : memref<1x128xi32, #tpu.memory_space<vmem>> -> memref<128xi32, #tpu.memory_space<vmem>>
        %dma_wait3A_65 = arith.constant 0 : i32
        %dma_wait3A_66 = tpu.memref_slice %arg11[%dma_wait3A_65] : memref<100352xf32, #tpu.memory_space<vmem_shared>> -> memref<100352xf32, #tpu.memory_space<vmem_shared>>
        tpu.wait_indirect_dma semaphore(%run_scoped3A_58 : memref<!tpu.dma_semaphore, #tpu.memory_space<semaphore_mem>>) src(%arg9 : memref<128xf32, #tpu.memory_space<vmem>>) dst(%dma_wait3A_66 : memref<100352xf32, #tpu.memory_space<vmem_shared>>)
        tpu.yield
      }) : () -> ()
      %run_scoped3A_24 = arith.constant 6 : i32
      "tpu.region"() ({
        %run_scoped3A_58 = tpu.sem_alloc : memref<!tpu.dma_semaphore, #tpu.memory_space<semaphore_mem>>
        %dma_start3A = arith.constant 0 : i32
        %dma_start3A_59 = tpu.memref_slice %arg8[%run_scoped3A_24, %dma_start3A] : memref<23x128xi32, #tpu.memory_space<vmem>> -> memref<1x128xi32, #tpu.memory_space<vmem>>
        %dma_start3A_60 = tpu.memref_squeeze %dma_start3A_59 : memref<1x128xi32, #tpu.memory_space<vmem>> -> memref<128xi32, #tpu.memory_space<vmem>>
        %dma_start3A_61 = arith.constant 0 : i32
        %dma_start3A_62 = tpu.memref_slice %arg10[%dma_start3A_61] : memref<100352xf32, #tpu.memory_space<vmem_shared>> -> memref<100352xf32, #tpu.memory_space<vmem_shared>>
        tpu.enqueue_indirect_dma source(%dma_start3A_62 : memref<100352xf32, #tpu.memory_space<vmem_shared>>) target(%arg9 : memref<128xf32, #tpu.memory_space<vmem>>) offsets(%dma_start3A_60 : memref<128xi32, #tpu.memory_space<vmem>>) semaphore(%run_scoped3A_58 : memref<!tpu.dma_semaphore, #tpu.memory_space<semaphore_mem>>)
        %dma_wait3A = arith.constant 0 : i32
        %dma_wait3A_63 = tpu.memref_slice %arg8[%run_scoped3A_24, %dma_wait3A] : memref<23x128xi32, #tpu.memory_space<vmem>> -> memref<1x128xi32, #tpu.memory_space<vmem>>
        %dma_wait3A_64 = tpu.memref_squeeze %dma_wait3A_63 : memref<1x128xi32, #tpu.memory_space<vmem>> -> memref<128xi32, #tpu.memory_space<vmem>>
        %dma_wait3A_65 = arith.constant 0 : i32
        %dma_wait3A_66 = tpu.memref_slice %arg10[%dma_wait3A_65] : memref<100352xf32, #tpu.memory_space<vmem_shared>> -> memref<100352xf32, #tpu.memory_space<vmem_shared>>
        tpu.wait_indirect_dma semaphore(%run_scoped3A_58 : memref<!tpu.dma_semaphore, #tpu.memory_space<semaphore_mem>>) src(%dma_wait3A_66 : memref<100352xf32, #tpu.memory_space<vmem_shared>>) dst(%arg9 : memref<128xf32, #tpu.memory_space<vmem>>)
        tpu.yield
      }) : () -> ()
      %run_scoped3A_25 = arith.constant 6 : i32
      "tpu.region"() ({
        %run_scoped3A_58 = tpu.sem_alloc : memref<!tpu.dma_semaphore, #tpu.memory_space<semaphore_mem>>
        %dma_start3A = arith.constant 0 : i32
        %dma_start3A_59 = tpu.memref_slice %arg7[%run_scoped3A_25, %dma_start3A] : memref<23x128xi32, #tpu.memory_space<vmem>> -> memref<1x128xi32, #tpu.memory_space<vmem>>
        %dma_start3A_60 = tpu.memref_squeeze %dma_start3A_59 : memref<1x128xi32, #tpu.memory_space<vmem>> -> memref<128xi32, #tpu.memory_space<vmem>>
        %dma_start3A_61 = arith.constant 0 : i32
        %dma_start3A_62 = tpu.memref_slice %arg11[%dma_start3A_61] : memref<100352xf32, #tpu.memory_space<vmem_shared>> -> memref<100352xf32, #tpu.memory_space<vmem_shared>>
        tpu.enqueue_indirect_dma source(%arg9 : memref<128xf32, #tpu.memory_space<vmem>>) target(%dma_start3A_62 : memref<100352xf32, #tpu.memory_space<vmem_shared>>) offsets(%dma_start3A_60 : memref<128xi32, #tpu.memory_space<vmem>>) semaphore(%run_scoped3A_58 : memref<!tpu.dma_semaphore, #tpu.memory_space<semaphore_mem>>) {add = true}
        %dma_wait3A = arith.constant 0 : i32
        %dma_wait3A_63 = tpu.memref_slice %arg7[%run_scoped3A_25, %dma_wait3A] : memref<23x128xi32, #tpu.memory_space<vmem>> -> memref<1x128xi32, #tpu.memory_space<vmem>>
        %dma_wait3A_64 = tpu.memref_squeeze %dma_wait3A_63 : memref<1x128xi32, #tpu.memory_space<vmem>> -> memref<128xi32, #tpu.memory_space<vmem>>
        %dma_wait3A_65 = arith.constant 0 : i32
        %dma_wait3A_66 = tpu.memref_slice %arg11[%dma_wait3A_65] : memref<100352xf32, #tpu.memory_space<vmem_shared>> -> memref<100352xf32, #tpu.memory_space<vmem_shared>>
        tpu.wait_indirect_dma semaphore(%run_scoped3A_58 : memref<!tpu.dma_semaphore, #tpu.memory_space<semaphore_mem>>) src(%arg9 : memref<128xf32, #tpu.memory_space<vmem>>) dst(%dma_wait3A_66 : memref<100352xf32, #tpu.memory_space<vmem_shared>>)
        tpu.yield
      }) : () -> ()
      %run_scoped3A_26 = arith.constant 7 : i32
      "tpu.region"() ({
        %run_scoped3A_58 = tpu.sem_alloc : memref<!tpu.dma_semaphore, #tpu.memory_space<semaphore_mem>>
        %dma_start3A = arith.constant 0 : i32
        %dma_start3A_59 = tpu.memref_slice %arg8[%run_scoped3A_26, %dma_start3A] : memref<23x128xi32, #tpu.memory_space<vmem>> -> memref<1x128xi32, #tpu.memory_space<vmem>>
        %dma_start3A_60 = tpu.memref_squeeze %dma_start3A_59 : memref<1x128xi32, #tpu.memory_space<vmem>> -> memref<128xi32, #tpu.memory_space<vmem>>
        %dma_start3A_61 = arith.constant 0 : i32
        %dma_start3A_62 = tpu.memref_slice %arg10[%dma_start3A_61] : memref<100352xf32, #tpu.memory_space<vmem_shared>> -> memref<100352xf32, #tpu.memory_space<vmem_shared>>
        tpu.enqueue_indirect_dma source(%dma_start3A_62 : memref<100352xf32, #tpu.memory_space<vmem_shared>>) target(%arg9 : memref<128xf32, #tpu.memory_space<vmem>>) offsets(%dma_start3A_60 : memref<128xi32, #tpu.memory_space<vmem>>) semaphore(%run_scoped3A_58 : memref<!tpu.dma_semaphore, #tpu.memory_space<semaphore_mem>>)
        %dma_wait3A = arith.constant 0 : i32
        %dma_wait3A_63 = tpu.memref_slice %arg8[%run_scoped3A_26, %dma_wait3A] : memref<23x128xi32, #tpu.memory_space<vmem>> -> memref<1x128xi32, #tpu.memory_space<vmem>>
        %dma_wait3A_64 = tpu.memref_squeeze %dma_wait3A_63 : memref<1x128xi32, #tpu.memory_space<vmem>> -> memref<128xi32, #tpu.memory_space<vmem>>
        %dma_wait3A_65 = arith.constant 0 : i32
        %dma_wait3A_66 = tpu.memref_slice %arg10[%dma_wait3A_65] : memref<100352xf32, #tpu.memory_space<vmem_shared>> -> memref<100352xf32, #tpu.memory_space<vmem_shared>>
        tpu.wait_indirect_dma semaphore(%run_scoped3A_58 : memref<!tpu.dma_semaphore, #tpu.memory_space<semaphore_mem>>) src(%dma_wait3A_66 : memref<100352xf32, #tpu.memory_space<vmem_shared>>) dst(%arg9 : memref<128xf32, #tpu.memory_space<vmem>>)
        tpu.yield
      }) : () -> ()
      %run_scoped3A_27 = arith.constant 7 : i32
      "tpu.region"() ({
        %run_scoped3A_58 = tpu.sem_alloc : memref<!tpu.dma_semaphore, #tpu.memory_space<semaphore_mem>>
        %dma_start3A = arith.constant 0 : i32
        %dma_start3A_59 = tpu.memref_slice %arg7[%run_scoped3A_27, %dma_start3A] : memref<23x128xi32, #tpu.memory_space<vmem>> -> memref<1x128xi32, #tpu.memory_space<vmem>>
        %dma_start3A_60 = tpu.memref_squeeze %dma_start3A_59 : memref<1x128xi32, #tpu.memory_space<vmem>> -> memref<128xi32, #tpu.memory_space<vmem>>
        %dma_start3A_61 = arith.constant 0 : i32
        %dma_start3A_62 = tpu.memref_slice %arg11[%dma_start3A_61] : memref<100352xf32, #tpu.memory_space<vmem_shared>> -> memref<100352xf32, #tpu.memory_space<vmem_shared>>
        tpu.enqueue_indirect_dma source(%arg9 : memref<128xf32, #tpu.memory_space<vmem>>) target(%dma_start3A_62 : memref<100352xf32, #tpu.memory_space<vmem_shared>>) offsets(%dma_start3A_60 : memref<128xi32, #tpu.memory_space<vmem>>) semaphore(%run_scoped3A_58 : memref<!tpu.dma_semaphore, #tpu.memory_space<semaphore_mem>>) {add = true}
        %dma_wait3A = arith.constant 0 : i32
        %dma_wait3A_63 = tpu.memref_slice %arg7[%run_scoped3A_27, %dma_wait3A] : memref<23x128xi32, #tpu.memory_space<vmem>> -> memref<1x128xi32, #tpu.memory_space<vmem>>
        %dma_wait3A_64 = tpu.memref_squeeze %dma_wait3A_63 : memref<1x128xi32, #tpu.memory_space<vmem>> -> memref<128xi32, #tpu.memory_space<vmem>>
        %dma_wait3A_65 = arith.constant 0 : i32
        %dma_wait3A_66 = tpu.memref_slice %arg11[%dma_wait3A_65] : memref<100352xf32, #tpu.memory_space<vmem_shared>> -> memref<100352xf32, #tpu.memory_space<vmem_shared>>
        tpu.wait_indirect_dma semaphore(%run_scoped3A_58 : memref<!tpu.dma_semaphore, #tpu.memory_space<semaphore_mem>>) src(%arg9 : memref<128xf32, #tpu.memory_space<vmem>>) dst(%dma_wait3A_66 : memref<100352xf32, #tpu.memory_space<vmem_shared>>)
        tpu.yield
      }) : () -> ()
      %run_scoped3A_28 = arith.constant 8 : i32
      "tpu.region"() ({
        %run_scoped3A_58 = tpu.sem_alloc : memref<!tpu.dma_semaphore, #tpu.memory_space<semaphore_mem>>
        %dma_start3A = arith.constant 0 : i32
        %dma_start3A_59 = tpu.memref_slice %arg8[%run_scoped3A_28, %dma_start3A] : memref<23x128xi32, #tpu.memory_space<vmem>> -> memref<1x128xi32, #tpu.memory_space<vmem>>
        %dma_start3A_60 = tpu.memref_squeeze %dma_start3A_59 : memref<1x128xi32, #tpu.memory_space<vmem>> -> memref<128xi32, #tpu.memory_space<vmem>>
        %dma_start3A_61 = arith.constant 0 : i32
        %dma_start3A_62 = tpu.memref_slice %arg10[%dma_start3A_61] : memref<100352xf32, #tpu.memory_space<vmem_shared>> -> memref<100352xf32, #tpu.memory_space<vmem_shared>>
        tpu.enqueue_indirect_dma source(%dma_start3A_62 : memref<100352xf32, #tpu.memory_space<vmem_shared>>) target(%arg9 : memref<128xf32, #tpu.memory_space<vmem>>) offsets(%dma_start3A_60 : memref<128xi32, #tpu.memory_space<vmem>>) semaphore(%run_scoped3A_58 : memref<!tpu.dma_semaphore, #tpu.memory_space<semaphore_mem>>)
        %dma_wait3A = arith.constant 0 : i32
        %dma_wait3A_63 = tpu.memref_slice %arg8[%run_scoped3A_28, %dma_wait3A] : memref<23x128xi32, #tpu.memory_space<vmem>> -> memref<1x128xi32, #tpu.memory_space<vmem>>
        %dma_wait3A_64 = tpu.memref_squeeze %dma_wait3A_63 : memref<1x128xi32, #tpu.memory_space<vmem>> -> memref<128xi32, #tpu.memory_space<vmem>>
        %dma_wait3A_65 = arith.constant 0 : i32
        %dma_wait3A_66 = tpu.memref_slice %arg10[%dma_wait3A_65] : memref<100352xf32, #tpu.memory_space<vmem_shared>> -> memref<100352xf32, #tpu.memory_space<vmem_shared>>
        tpu.wait_indirect_dma semaphore(%run_scoped3A_58 : memref<!tpu.dma_semaphore, #tpu.memory_space<semaphore_mem>>) src(%dma_wait3A_66 : memref<100352xf32, #tpu.memory_space<vmem_shared>>) dst(%arg9 : memref<128xf32, #tpu.memory_space<vmem>>)
        tpu.yield
      }) : () -> ()
      %run_scoped3A_29 = arith.constant 8 : i32
      "tpu.region"() ({
        %run_scoped3A_58 = tpu.sem_alloc : memref<!tpu.dma_semaphore, #tpu.memory_space<semaphore_mem>>
        %dma_start3A = arith.constant 0 : i32
        %dma_start3A_59 = tpu.memref_slice %arg7[%run_scoped3A_29, %dma_start3A] : memref<23x128xi32, #tpu.memory_space<vmem>> -> memref<1x128xi32, #tpu.memory_space<vmem>>
        %dma_start3A_60 = tpu.memref_squeeze %dma_start3A_59 : memref<1x128xi32, #tpu.memory_space<vmem>> -> memref<128xi32, #tpu.memory_space<vmem>>
        %dma_start3A_61 = arith.constant 0 : i32
        %dma_start3A_62 = tpu.memref_slice %arg11[%dma_start3A_61] : memref<100352xf32, #tpu.memory_space<vmem_shared>> -> memref<100352xf32, #tpu.memory_space<vmem_shared>>
        tpu.enqueue_indirect_dma source(%arg9 : memref<128xf32, #tpu.memory_space<vmem>>) target(%dma_start3A_62 : memref<100352xf32, #tpu.memory_space<vmem_shared>>) offsets(%dma_start3A_60 : memref<128xi32, #tpu.memory_space<vmem>>) semaphore(%run_scoped3A_58 : memref<!tpu.dma_semaphore, #tpu.memory_space<semaphore_mem>>) {add = true}
        %dma_wait3A = arith.constant 0 : i32
        %dma_wait3A_63 = tpu.memref_slice %arg7[%run_scoped3A_29, %dma_wait3A] : memref<23x128xi32, #tpu.memory_space<vmem>> -> memref<1x128xi32, #tpu.memory_space<vmem>>
        %dma_wait3A_64 = tpu.memref_squeeze %dma_wait3A_63 : memref<1x128xi32, #tpu.memory_space<vmem>> -> memref<128xi32, #tpu.memory_space<vmem>>
        %dma_wait3A_65 = arith.constant 0 : i32
        %dma_wait3A_66 = tpu.memref_slice %arg11[%dma_wait3A_65] : memref<100352xf32, #tpu.memory_space<vmem_shared>> -> memref<100352xf32, #tpu.memory_space<vmem_shared>>
        tpu.wait_indirect_dma semaphore(%run_scoped3A_58 : memref<!tpu.dma_semaphore, #tpu.memory_space<semaphore_mem>>) src(%arg9 : memref<128xf32, #tpu.memory_space<vmem>>) dst(%dma_wait3A_66 : memref<100352xf32, #tpu.memory_space<vmem_shared>>)
        tpu.yield
      }) : () -> ()
      %run_scoped3A_30 = arith.constant 9 : i32
      "tpu.region"() ({
        %run_scoped3A_58 = tpu.sem_alloc : memref<!tpu.dma_semaphore, #tpu.memory_space<semaphore_mem>>
        %dma_start3A = arith.constant 0 : i32
        %dma_start3A_59 = tpu.memref_slice %arg8[%run_scoped3A_30, %dma_start3A] : memref<23x128xi32, #tpu.memory_space<vmem>> -> memref<1x128xi32, #tpu.memory_space<vmem>>
        %dma_start3A_60 = tpu.memref_squeeze %dma_start3A_59 : memref<1x128xi32, #tpu.memory_space<vmem>> -> memref<128xi32, #tpu.memory_space<vmem>>
        %dma_start3A_61 = arith.constant 0 : i32
        %dma_start3A_62 = tpu.memref_slice %arg10[%dma_start3A_61] : memref<100352xf32, #tpu.memory_space<vmem_shared>> -> memref<100352xf32, #tpu.memory_space<vmem_shared>>
        tpu.enqueue_indirect_dma source(%dma_start3A_62 : memref<100352xf32, #tpu.memory_space<vmem_shared>>) target(%arg9 : memref<128xf32, #tpu.memory_space<vmem>>) offsets(%dma_start3A_60 : memref<128xi32, #tpu.memory_space<vmem>>) semaphore(%run_scoped3A_58 : memref<!tpu.dma_semaphore, #tpu.memory_space<semaphore_mem>>)
        %dma_wait3A = arith.constant 0 : i32
        %dma_wait3A_63 = tpu.memref_slice %arg8[%run_scoped3A_30, %dma_wait3A] : memref<23x128xi32, #tpu.memory_space<vmem>> -> memref<1x128xi32, #tpu.memory_space<vmem>>
        %dma_wait3A_64 = tpu.memref_squeeze %dma_wait3A_63 : memref<1x128xi32, #tpu.memory_space<vmem>> -> memref<128xi32, #tpu.memory_space<vmem>>
        %dma_wait3A_65 = arith.constant 0 : i32
        %dma_wait3A_66 = tpu.memref_slice %arg10[%dma_wait3A_65] : memref<100352xf32, #tpu.memory_space<vmem_shared>> -> memref<100352xf32, #tpu.memory_space<vmem_shared>>
        tpu.wait_indirect_dma semaphore(%run_scoped3A_58 : memref<!tpu.dma_semaphore, #tpu.memory_space<semaphore_mem>>) src(%dma_wait3A_66 : memref<100352xf32, #tpu.memory_space<vmem_shared>>) dst(%arg9 : memref<128xf32, #tpu.memory_space<vmem>>)
        tpu.yield
      }) : () -> ()
      %run_scoped3A_31 = arith.constant 9 : i32
      "tpu.region"() ({
        %run_scoped3A_58 = tpu.sem_alloc : memref<!tpu.dma_semaphore, #tpu.memory_space<semaphore_mem>>
        %dma_start3A = arith.constant 0 : i32
        %dma_start3A_59 = tpu.memref_slice %arg7[%run_scoped3A_31, %dma_start3A] : memref<23x128xi32, #tpu.memory_space<vmem>> -> memref<1x128xi32, #tpu.memory_space<vmem>>
        %dma_start3A_60 = tpu.memref_squeeze %dma_start3A_59 : memref<1x128xi32, #tpu.memory_space<vmem>> -> memref<128xi32, #tpu.memory_space<vmem>>
        %dma_start3A_61 = arith.constant 0 : i32
        %dma_start3A_62 = tpu.memref_slice %arg11[%dma_start3A_61] : memref<100352xf32, #tpu.memory_space<vmem_shared>> -> memref<100352xf32, #tpu.memory_space<vmem_shared>>
        tpu.enqueue_indirect_dma source(%arg9 : memref<128xf32, #tpu.memory_space<vmem>>) target(%dma_start3A_62 : memref<100352xf32, #tpu.memory_space<vmem_shared>>) offsets(%dma_start3A_60 : memref<128xi32, #tpu.memory_space<vmem>>) semaphore(%run_scoped3A_58 : memref<!tpu.dma_semaphore, #tpu.memory_space<semaphore_mem>>) {add = true}
        %dma_wait3A = arith.constant 0 : i32
        %dma_wait3A_63 = tpu.memref_slice %arg7[%run_scoped3A_31, %dma_wait3A] : memref<23x128xi32, #tpu.memory_space<vmem>> -> memref<1x128xi32, #tpu.memory_space<vmem>>
        %dma_wait3A_64 = tpu.memref_squeeze %dma_wait3A_63 : memref<1x128xi32, #tpu.memory_space<vmem>> -> memref<128xi32, #tpu.memory_space<vmem>>
        %dma_wait3A_65 = arith.constant 0 : i32
        %dma_wait3A_66 = tpu.memref_slice %arg11[%dma_wait3A_65] : memref<100352xf32, #tpu.memory_space<vmem_shared>> -> memref<100352xf32, #tpu.memory_space<vmem_shared>>
        tpu.wait_indirect_dma semaphore(%run_scoped3A_58 : memref<!tpu.dma_semaphore, #tpu.memory_space<semaphore_mem>>) src(%arg9 : memref<128xf32, #tpu.memory_space<vmem>>) dst(%dma_wait3A_66 : memref<100352xf32, #tpu.memory_space<vmem_shared>>)
        tpu.yield
      }) : () -> ()
      %run_scoped3A_32 = arith.constant 10 : i32
      "tpu.region"() ({
        %run_scoped3A_58 = tpu.sem_alloc : memref<!tpu.dma_semaphore, #tpu.memory_space<semaphore_mem>>
        %dma_start3A = arith.constant 0 : i32
        %dma_start3A_59 = tpu.memref_slice %arg8[%run_scoped3A_32, %dma_start3A] : memref<23x128xi32, #tpu.memory_space<vmem>> -> memref<1x128xi32, #tpu.memory_space<vmem>>
        %dma_start3A_60 = tpu.memref_squeeze %dma_start3A_59 : memref<1x128xi32, #tpu.memory_space<vmem>> -> memref<128xi32, #tpu.memory_space<vmem>>
        %dma_start3A_61 = arith.constant 0 : i32
        %dma_start3A_62 = tpu.memref_slice %arg10[%dma_start3A_61] : memref<100352xf32, #tpu.memory_space<vmem_shared>> -> memref<100352xf32, #tpu.memory_space<vmem_shared>>
        tpu.enqueue_indirect_dma source(%dma_start3A_62 : memref<100352xf32, #tpu.memory_space<vmem_shared>>) target(%arg9 : memref<128xf32, #tpu.memory_space<vmem>>) offsets(%dma_start3A_60 : memref<128xi32, #tpu.memory_space<vmem>>) semaphore(%run_scoped3A_58 : memref<!tpu.dma_semaphore, #tpu.memory_space<semaphore_mem>>)
        %dma_wait3A = arith.constant 0 : i32
        %dma_wait3A_63 = tpu.memref_slice %arg8[%run_scoped3A_32, %dma_wait3A] : memref<23x128xi32, #tpu.memory_space<vmem>> -> memref<1x128xi32, #tpu.memory_space<vmem>>
        %dma_wait3A_64 = tpu.memref_squeeze %dma_wait3A_63 : memref<1x128xi32, #tpu.memory_space<vmem>> -> memref<128xi32, #tpu.memory_space<vmem>>
        %dma_wait3A_65 = arith.constant 0 : i32
        %dma_wait3A_66 = tpu.memref_slice %arg10[%dma_wait3A_65] : memref<100352xf32, #tpu.memory_space<vmem_shared>> -> memref<100352xf32, #tpu.memory_space<vmem_shared>>
        tpu.wait_indirect_dma semaphore(%run_scoped3A_58 : memref<!tpu.dma_semaphore, #tpu.memory_space<semaphore_mem>>) src(%dma_wait3A_66 : memref<100352xf32, #tpu.memory_space<vmem_shared>>) dst(%arg9 : memref<128xf32, #tpu.memory_space<vmem>>)
        tpu.yield
      }) : () -> ()
      %run_scoped3A_33 = arith.constant 10 : i32
      "tpu.region"() ({
        %run_scoped3A_58 = tpu.sem_alloc : memref<!tpu.dma_semaphore, #tpu.memory_space<semaphore_mem>>
        %dma_start3A = arith.constant 0 : i32
        %dma_start3A_59 = tpu.memref_slice %arg7[%run_scoped3A_33, %dma_start3A] : memref<23x128xi32, #tpu.memory_space<vmem>> -> memref<1x128xi32, #tpu.memory_space<vmem>>
        %dma_start3A_60 = tpu.memref_squeeze %dma_start3A_59 : memref<1x128xi32, #tpu.memory_space<vmem>> -> memref<128xi32, #tpu.memory_space<vmem>>
        %dma_start3A_61 = arith.constant 0 : i32
        %dma_start3A_62 = tpu.memref_slice %arg11[%dma_start3A_61] : memref<100352xf32, #tpu.memory_space<vmem_shared>> -> memref<100352xf32, #tpu.memory_space<vmem_shared>>
        tpu.enqueue_indirect_dma source(%arg9 : memref<128xf32, #tpu.memory_space<vmem>>) target(%dma_start3A_62 : memref<100352xf32, #tpu.memory_space<vmem_shared>>) offsets(%dma_start3A_60 : memref<128xi32, #tpu.memory_space<vmem>>) semaphore(%run_scoped3A_58 : memref<!tpu.dma_semaphore, #tpu.memory_space<semaphore_mem>>) {add = true}
        %dma_wait3A = arith.constant 0 : i32
        %dma_wait3A_63 = tpu.memref_slice %arg7[%run_scoped3A_33, %dma_wait3A] : memref<23x128xi32, #tpu.memory_space<vmem>> -> memref<1x128xi32, #tpu.memory_space<vmem>>
        %dma_wait3A_64 = tpu.memref_squeeze %dma_wait3A_63 : memref<1x128xi32, #tpu.memory_space<vmem>> -> memref<128xi32, #tpu.memory_space<vmem>>
        %dma_wait3A_65 = arith.constant 0 : i32
        %dma_wait3A_66 = tpu.memref_slice %arg11[%dma_wait3A_65] : memref<100352xf32, #tpu.memory_space<vmem_shared>> -> memref<100352xf32, #tpu.memory_space<vmem_shared>>
        tpu.wait_indirect_dma semaphore(%run_scoped3A_58 : memref<!tpu.dma_semaphore, #tpu.memory_space<semaphore_mem>>) src(%arg9 : memref<128xf32, #tpu.memory_space<vmem>>) dst(%dma_wait3A_66 : memref<100352xf32, #tpu.memory_space<vmem_shared>>)
        tpu.yield
      }) : () -> ()
      %run_scoped3A_34 = arith.constant 11 : i32
      "tpu.region"() ({
        %run_scoped3A_58 = tpu.sem_alloc : memref<!tpu.dma_semaphore, #tpu.memory_space<semaphore_mem>>
        %dma_start3A = arith.constant 0 : i32
        %dma_start3A_59 = tpu.memref_slice %arg8[%run_scoped3A_34, %dma_start3A] : memref<23x128xi32, #tpu.memory_space<vmem>> -> memref<1x128xi32, #tpu.memory_space<vmem>>
        %dma_start3A_60 = tpu.memref_squeeze %dma_start3A_59 : memref<1x128xi32, #tpu.memory_space<vmem>> -> memref<128xi32, #tpu.memory_space<vmem>>
        %dma_start3A_61 = arith.constant 0 : i32
        %dma_start3A_62 = tpu.memref_slice %arg10[%dma_start3A_61] : memref<100352xf32, #tpu.memory_space<vmem_shared>> -> memref<100352xf32, #tpu.memory_space<vmem_shared>>
        tpu.enqueue_indirect_dma source(%dma_start3A_62 : memref<100352xf32, #tpu.memory_space<vmem_shared>>) target(%arg9 : memref<128xf32, #tpu.memory_space<vmem>>) offsets(%dma_start3A_60 : memref<128xi32, #tpu.memory_space<vmem>>) semaphore(%run_scoped3A_58 : memref<!tpu.dma_semaphore, #tpu.memory_space<semaphore_mem>>)
        %dma_wait3A = arith.constant 0 : i32
        %dma_wait3A_63 = tpu.memref_slice %arg8[%run_scoped3A_34, %dma_wait3A] : memref<23x128xi32, #tpu.memory_space<vmem>> -> memref<1x128xi32, #tpu.memory_space<vmem>>
        %dma_wait3A_64 = tpu.memref_squeeze %dma_wait3A_63 : memref<1x128xi32, #tpu.memory_space<vmem>> -> memref<128xi32, #tpu.memory_space<vmem>>
        %dma_wait3A_65 = arith.constant 0 : i32
        %dma_wait3A_66 = tpu.memref_slice %arg10[%dma_wait3A_65] : memref<100352xf32, #tpu.memory_space<vmem_shared>> -> memref<100352xf32, #tpu.memory_space<vmem_shared>>
        tpu.wait_indirect_dma semaphore(%run_scoped3A_58 : memref<!tpu.dma_semaphore, #tpu.memory_space<semaphore_mem>>) src(%dma_wait3A_66 : memref<100352xf32, #tpu.memory_space<vmem_shared>>) dst(%arg9 : memref<128xf32, #tpu.memory_space<vmem>>)
        tpu.yield
      }) : () -> ()
      %run_scoped3A_35 = arith.constant 11 : i32
      "tpu.region"() ({
        %run_scoped3A_58 = tpu.sem_alloc : memref<!tpu.dma_semaphore, #tpu.memory_space<semaphore_mem>>
        %dma_start3A = arith.constant 0 : i32
        %dma_start3A_59 = tpu.memref_slice %arg7[%run_scoped3A_35, %dma_start3A] : memref<23x128xi32, #tpu.memory_space<vmem>> -> memref<1x128xi32, #tpu.memory_space<vmem>>
        %dma_start3A_60 = tpu.memref_squeeze %dma_start3A_59 : memref<1x128xi32, #tpu.memory_space<vmem>> -> memref<128xi32, #tpu.memory_space<vmem>>
        %dma_start3A_61 = arith.constant 0 : i32
        %dma_start3A_62 = tpu.memref_slice %arg11[%dma_start3A_61] : memref<100352xf32, #tpu.memory_space<vmem_shared>> -> memref<100352xf32, #tpu.memory_space<vmem_shared>>
        tpu.enqueue_indirect_dma source(%arg9 : memref<128xf32, #tpu.memory_space<vmem>>) target(%dma_start3A_62 : memref<100352xf32, #tpu.memory_space<vmem_shared>>) offsets(%dma_start3A_60 : memref<128xi32, #tpu.memory_space<vmem>>) semaphore(%run_scoped3A_58 : memref<!tpu.dma_semaphore, #tpu.memory_space<semaphore_mem>>) {add = true}
        %dma_wait3A = arith.constant 0 : i32
        %dma_wait3A_63 = tpu.memref_slice %arg7[%run_scoped3A_35, %dma_wait3A] : memref<23x128xi32, #tpu.memory_space<vmem>> -> memref<1x128xi32, #tpu.memory_space<vmem>>
        %dma_wait3A_64 = tpu.memref_squeeze %dma_wait3A_63 : memref<1x128xi32, #tpu.memory_space<vmem>> -> memref<128xi32, #tpu.memory_space<vmem>>
        %dma_wait3A_65 = arith.constant 0 : i32
        %dma_wait3A_66 = tpu.memref_slice %arg11[%dma_wait3A_65] : memref<100352xf32, #tpu.memory_space<vmem_shared>> -> memref<100352xf32, #tpu.memory_space<vmem_shared>>
        tpu.wait_indirect_dma semaphore(%run_scoped3A_58 : memref<!tpu.dma_semaphore, #tpu.memory_space<semaphore_mem>>) src(%arg9 : memref<128xf32, #tpu.memory_space<vmem>>) dst(%dma_wait3A_66 : memref<100352xf32, #tpu.memory_space<vmem_shared>>)
        tpu.yield
      }) : () -> ()
      %run_scoped3A_36 = arith.constant 12 : i32
      "tpu.region"() ({
        %run_scoped3A_58 = tpu.sem_alloc : memref<!tpu.dma_semaphore, #tpu.memory_space<semaphore_mem>>
        %dma_start3A = arith.constant 0 : i32
        %dma_start3A_59 = tpu.memref_slice %arg8[%run_scoped3A_36, %dma_start3A] : memref<23x128xi32, #tpu.memory_space<vmem>> -> memref<1x128xi32, #tpu.memory_space<vmem>>
        %dma_start3A_60 = tpu.memref_squeeze %dma_start3A_59 : memref<1x128xi32, #tpu.memory_space<vmem>> -> memref<128xi32, #tpu.memory_space<vmem>>
        %dma_start3A_61 = arith.constant 0 : i32
        %dma_start3A_62 = tpu.memref_slice %arg10[%dma_start3A_61] : memref<100352xf32, #tpu.memory_space<vmem_shared>> -> memref<100352xf32, #tpu.memory_space<vmem_shared>>
        tpu.enqueue_indirect_dma source(%dma_start3A_62 : memref<100352xf32, #tpu.memory_space<vmem_shared>>) target(%arg9 : memref<128xf32, #tpu.memory_space<vmem>>) offsets(%dma_start3A_60 : memref<128xi32, #tpu.memory_space<vmem>>) semaphore(%run_scoped3A_58 : memref<!tpu.dma_semaphore, #tpu.memory_space<semaphore_mem>>)
        %dma_wait3A = arith.constant 0 : i32
        %dma_wait3A_63 = tpu.memref_slice %arg8[%run_scoped3A_36, %dma_wait3A] : memref<23x128xi32, #tpu.memory_space<vmem>> -> memref<1x128xi32, #tpu.memory_space<vmem>>
        %dma_wait3A_64 = tpu.memref_squeeze %dma_wait3A_63 : memref<1x128xi32, #tpu.memory_space<vmem>> -> memref<128xi32, #tpu.memory_space<vmem>>
        %dma_wait3A_65 = arith.constant 0 : i32
        %dma_wait3A_66 = tpu.memref_slice %arg10[%dma_wait3A_65] : memref<100352xf32, #tpu.memory_space<vmem_shared>> -> memref<100352xf32, #tpu.memory_space<vmem_shared>>
        tpu.wait_indirect_dma semaphore(%run_scoped3A_58 : memref<!tpu.dma_semaphore, #tpu.memory_space<semaphore_mem>>) src(%dma_wait3A_66 : memref<100352xf32, #tpu.memory_space<vmem_shared>>) dst(%arg9 : memref<128xf32, #tpu.memory_space<vmem>>)
        tpu.yield
      }) : () -> ()
      %run_scoped3A_37 = arith.constant 12 : i32
      "tpu.region"() ({
        %run_scoped3A_58 = tpu.sem_alloc : memref<!tpu.dma_semaphore, #tpu.memory_space<semaphore_mem>>
        %dma_start3A = arith.constant 0 : i32
        %dma_start3A_59 = tpu.memref_slice %arg7[%run_scoped3A_37, %dma_start3A] : memref<23x128xi32, #tpu.memory_space<vmem>> -> memref<1x128xi32, #tpu.memory_space<vmem>>
        %dma_start3A_60 = tpu.memref_squeeze %dma_start3A_59 : memref<1x128xi32, #tpu.memory_space<vmem>> -> memref<128xi32, #tpu.memory_space<vmem>>
        %dma_start3A_61 = arith.constant 0 : i32
        %dma_start3A_62 = tpu.memref_slice %arg11[%dma_start3A_61] : memref<100352xf32, #tpu.memory_space<vmem_shared>> -> memref<100352xf32, #tpu.memory_space<vmem_shared>>
        tpu.enqueue_indirect_dma source(%arg9 : memref<128xf32, #tpu.memory_space<vmem>>) target(%dma_start3A_62 : memref<100352xf32, #tpu.memory_space<vmem_shared>>) offsets(%dma_start3A_60 : memref<128xi32, #tpu.memory_space<vmem>>) semaphore(%run_scoped3A_58 : memref<!tpu.dma_semaphore, #tpu.memory_space<semaphore_mem>>) {add = true}
        %dma_wait3A = arith.constant 0 : i32
        %dma_wait3A_63 = tpu.memref_slice %arg7[%run_scoped3A_37, %dma_wait3A] : memref<23x128xi32, #tpu.memory_space<vmem>> -> memref<1x128xi32, #tpu.memory_space<vmem>>
        %dma_wait3A_64 = tpu.memref_squeeze %dma_wait3A_63 : memref<1x128xi32, #tpu.memory_space<vmem>> -> memref<128xi32, #tpu.memory_space<vmem>>
        %dma_wait3A_65 = arith.constant 0 : i32
        %dma_wait3A_66 = tpu.memref_slice %arg11[%dma_wait3A_65] : memref<100352xf32, #tpu.memory_space<vmem_shared>> -> memref<100352xf32, #tpu.memory_space<vmem_shared>>
        tpu.wait_indirect_dma semaphore(%run_scoped3A_58 : memref<!tpu.dma_semaphore, #tpu.memory_space<semaphore_mem>>) src(%arg9 : memref<128xf32, #tpu.memory_space<vmem>>) dst(%dma_wait3A_66 : memref<100352xf32, #tpu.memory_space<vmem_shared>>)
        tpu.yield
      }) : () -> ()
      %run_scoped3A_38 = arith.constant 13 : i32
      "tpu.region"() ({
        %run_scoped3A_58 = tpu.sem_alloc : memref<!tpu.dma_semaphore, #tpu.memory_space<semaphore_mem>>
        %dma_start3A = arith.constant 0 : i32
        %dma_start3A_59 = tpu.memref_slice %arg8[%run_scoped3A_38, %dma_start3A] : memref<23x128xi32, #tpu.memory_space<vmem>> -> memref<1x128xi32, #tpu.memory_space<vmem>>
        %dma_start3A_60 = tpu.memref_squeeze %dma_start3A_59 : memref<1x128xi32, #tpu.memory_space<vmem>> -> memref<128xi32, #tpu.memory_space<vmem>>
        %dma_start3A_61 = arith.constant 0 : i32
        %dma_start3A_62 = tpu.memref_slice %arg10[%dma_start3A_61] : memref<100352xf32, #tpu.memory_space<vmem_shared>> -> memref<100352xf32, #tpu.memory_space<vmem_shared>>
        tpu.enqueue_indirect_dma source(%dma_start3A_62 : memref<100352xf32, #tpu.memory_space<vmem_shared>>) target(%arg9 : memref<128xf32, #tpu.memory_space<vmem>>) offsets(%dma_start3A_60 : memref<128xi32, #tpu.memory_space<vmem>>) semaphore(%run_scoped3A_58 : memref<!tpu.dma_semaphore, #tpu.memory_space<semaphore_mem>>)
        %dma_wait3A = arith.constant 0 : i32
        %dma_wait3A_63 = tpu.memref_slice %arg8[%run_scoped3A_38, %dma_wait3A] : memref<23x128xi32, #tpu.memory_space<vmem>> -> memref<1x128xi32, #tpu.memory_space<vmem>>
        %dma_wait3A_64 = tpu.memref_squeeze %dma_wait3A_63 : memref<1x128xi32, #tpu.memory_space<vmem>> -> memref<128xi32, #tpu.memory_space<vmem>>
        %dma_wait3A_65 = arith.constant 0 : i32
        %dma_wait3A_66 = tpu.memref_slice %arg10[%dma_wait3A_65] : memref<100352xf32, #tpu.memory_space<vmem_shared>> -> memref<100352xf32, #tpu.memory_space<vmem_shared>>
        tpu.wait_indirect_dma semaphore(%run_scoped3A_58 : memref<!tpu.dma_semaphore, #tpu.memory_space<semaphore_mem>>) src(%dma_wait3A_66 : memref<100352xf32, #tpu.memory_space<vmem_shared>>) dst(%arg9 : memref<128xf32, #tpu.memory_space<vmem>>)
        tpu.yield
      }) : () -> ()
      %run_scoped3A_39 = arith.constant 13 : i32
      "tpu.region"() ({
        %run_scoped3A_58 = tpu.sem_alloc : memref<!tpu.dma_semaphore, #tpu.memory_space<semaphore_mem>>
        %dma_start3A = arith.constant 0 : i32
        %dma_start3A_59 = tpu.memref_slice %arg7[%run_scoped3A_39, %dma_start3A] : memref<23x128xi32, #tpu.memory_space<vmem>> -> memref<1x128xi32, #tpu.memory_space<vmem>>
        %dma_start3A_60 = tpu.memref_squeeze %dma_start3A_59 : memref<1x128xi32, #tpu.memory_space<vmem>> -> memref<128xi32, #tpu.memory_space<vmem>>
        %dma_start3A_61 = arith.constant 0 : i32
        %dma_start3A_62 = tpu.memref_slice %arg11[%dma_start3A_61] : memref<100352xf32, #tpu.memory_space<vmem_shared>> -> memref<100352xf32, #tpu.memory_space<vmem_shared>>
        tpu.enqueue_indirect_dma source(%arg9 : memref<128xf32, #tpu.memory_space<vmem>>) target(%dma_start3A_62 : memref<100352xf32, #tpu.memory_space<vmem_shared>>) offsets(%dma_start3A_60 : memref<128xi32, #tpu.memory_space<vmem>>) semaphore(%run_scoped3A_58 : memref<!tpu.dma_semaphore, #tpu.memory_space<semaphore_mem>>) {add = true}
        %dma_wait3A = arith.constant 0 : i32
        %dma_wait3A_63 = tpu.memref_slice %arg7[%run_scoped3A_39, %dma_wait3A] : memref<23x128xi32, #tpu.memory_space<vmem>> -> memref<1x128xi32, #tpu.memory_space<vmem>>
        %dma_wait3A_64 = tpu.memref_squeeze %dma_wait3A_63 : memref<1x128xi32, #tpu.memory_space<vmem>> -> memref<128xi32, #tpu.memory_space<vmem>>
        %dma_wait3A_65 = arith.constant 0 : i32
        %dma_wait3A_66 = tpu.memref_slice %arg11[%dma_wait3A_65] : memref<100352xf32, #tpu.memory_space<vmem_shared>> -> memref<100352xf32, #tpu.memory_space<vmem_shared>>
        tpu.wait_indirect_dma semaphore(%run_scoped3A_58 : memref<!tpu.dma_semaphore, #tpu.memory_space<semaphore_mem>>) src(%arg9 : memref<128xf32, #tpu.memory_space<vmem>>) dst(%dma_wait3A_66 : memref<100352xf32, #tpu.memory_space<vmem_shared>>)
        tpu.yield
      }) : () -> ()
      %run_scoped3A_40 = arith.constant 14 : i32
      "tpu.region"() ({
        %run_scoped3A_58 = tpu.sem_alloc : memref<!tpu.dma_semaphore, #tpu.memory_space<semaphore_mem>>
        %dma_start3A = arith.constant 0 : i32
        %dma_start3A_59 = tpu.memref_slice %arg8[%run_scoped3A_40, %dma_start3A] : memref<23x128xi32, #tpu.memory_space<vmem>> -> memref<1x128xi32, #tpu.memory_space<vmem>>
        %dma_start3A_60 = tpu.memref_squeeze %dma_start3A_59 : memref<1x128xi32, #tpu.memory_space<vmem>> -> memref<128xi32, #tpu.memory_space<vmem>>
        %dma_start3A_61 = arith.constant 0 : i32
        %dma_start3A_62 = tpu.memref_slice %arg10[%dma_start3A_61] : memref<100352xf32, #tpu.memory_space<vmem_shared>> -> memref<100352xf32, #tpu.memory_space<vmem_shared>>
        tpu.enqueue_indirect_dma source(%dma_start3A_62 : memref<100352xf32, #tpu.memory_space<vmem_shared>>) target(%arg9 : memref<128xf32, #tpu.memory_space<vmem>>) offsets(%dma_start3A_60 : memref<128xi32, #tpu.memory_space<vmem>>) semaphore(%run_scoped3A_58 : memref<!tpu.dma_semaphore, #tpu.memory_space<semaphore_mem>>)
        %dma_wait3A = arith.constant 0 : i32
        %dma_wait3A_63 = tpu.memref_slice %arg8[%run_scoped3A_40, %dma_wait3A] : memref<23x128xi32, #tpu.memory_space<vmem>> -> memref<1x128xi32, #tpu.memory_space<vmem>>
        %dma_wait3A_64 = tpu.memref_squeeze %dma_wait3A_63 : memref<1x128xi32, #tpu.memory_space<vmem>> -> memref<128xi32, #tpu.memory_space<vmem>>
        %dma_wait3A_65 = arith.constant 0 : i32
        %dma_wait3A_66 = tpu.memref_slice %arg10[%dma_wait3A_65] : memref<100352xf32, #tpu.memory_space<vmem_shared>> -> memref<100352xf32, #tpu.memory_space<vmem_shared>>
        tpu.wait_indirect_dma semaphore(%run_scoped3A_58 : memref<!tpu.dma_semaphore, #tpu.memory_space<semaphore_mem>>) src(%dma_wait3A_66 : memref<100352xf32, #tpu.memory_space<vmem_shared>>) dst(%arg9 : memref<128xf32, #tpu.memory_space<vmem>>)
        tpu.yield
      }) : () -> ()
      %run_scoped3A_41 = arith.constant 14 : i32
      "tpu.region"() ({
        %run_scoped3A_58 = tpu.sem_alloc : memref<!tpu.dma_semaphore, #tpu.memory_space<semaphore_mem>>
        %dma_start3A = arith.constant 0 : i32
        %dma_start3A_59 = tpu.memref_slice %arg7[%run_scoped3A_41, %dma_start3A] : memref<23x128xi32, #tpu.memory_space<vmem>> -> memref<1x128xi32, #tpu.memory_space<vmem>>
        %dma_start3A_60 = tpu.memref_squeeze %dma_start3A_59 : memref<1x128xi32, #tpu.memory_space<vmem>> -> memref<128xi32, #tpu.memory_space<vmem>>
        %dma_start3A_61 = arith.constant 0 : i32
        %dma_start3A_62 = tpu.memref_slice %arg11[%dma_start3A_61] : memref<100352xf32, #tpu.memory_space<vmem_shared>> -> memref<100352xf32, #tpu.memory_space<vmem_shared>>
        tpu.enqueue_indirect_dma source(%arg9 : memref<128xf32, #tpu.memory_space<vmem>>) target(%dma_start3A_62 : memref<100352xf32, #tpu.memory_space<vmem_shared>>) offsets(%dma_start3A_60 : memref<128xi32, #tpu.memory_space<vmem>>) semaphore(%run_scoped3A_58 : memref<!tpu.dma_semaphore, #tpu.memory_space<semaphore_mem>>) {add = true}
        %dma_wait3A = arith.constant 0 : i32
        %dma_wait3A_63 = tpu.memref_slice %arg7[%run_scoped3A_41, %dma_wait3A] : memref<23x128xi32, #tpu.memory_space<vmem>> -> memref<1x128xi32, #tpu.memory_space<vmem>>
        %dma_wait3A_64 = tpu.memref_squeeze %dma_wait3A_63 : memref<1x128xi32, #tpu.memory_space<vmem>> -> memref<128xi32, #tpu.memory_space<vmem>>
        %dma_wait3A_65 = arith.constant 0 : i32
        %dma_wait3A_66 = tpu.memref_slice %arg11[%dma_wait3A_65] : memref<100352xf32, #tpu.memory_space<vmem_shared>> -> memref<100352xf32, #tpu.memory_space<vmem_shared>>
        tpu.wait_indirect_dma semaphore(%run_scoped3A_58 : memref<!tpu.dma_semaphore, #tpu.memory_space<semaphore_mem>>) src(%arg9 : memref<128xf32, #tpu.memory_space<vmem>>) dst(%dma_wait3A_66 : memref<100352xf32, #tpu.memory_space<vmem_shared>>)
        tpu.yield
      }) : () -> ()
      %run_scoped3A_42 = arith.constant 15 : i32
      "tpu.region"() ({
        %run_scoped3A_58 = tpu.sem_alloc : memref<!tpu.dma_semaphore, #tpu.memory_space<semaphore_mem>>
        %dma_start3A = arith.constant 0 : i32
        %dma_start3A_59 = tpu.memref_slice %arg8[%run_scoped3A_42, %dma_start3A] : memref<23x128xi32, #tpu.memory_space<vmem>> -> memref<1x128xi32, #tpu.memory_space<vmem>>
        %dma_start3A_60 = tpu.memref_squeeze %dma_start3A_59 : memref<1x128xi32, #tpu.memory_space<vmem>> -> memref<128xi32, #tpu.memory_space<vmem>>
        %dma_start3A_61 = arith.constant 0 : i32
        %dma_start3A_62 = tpu.memref_slice %arg10[%dma_start3A_61] : memref<100352xf32, #tpu.memory_space<vmem_shared>> -> memref<100352xf32, #tpu.memory_space<vmem_shared>>
        tpu.enqueue_indirect_dma source(%dma_start3A_62 : memref<100352xf32, #tpu.memory_space<vmem_shared>>) target(%arg9 : memref<128xf32, #tpu.memory_space<vmem>>) offsets(%dma_start3A_60 : memref<128xi32, #tpu.memory_space<vmem>>) semaphore(%run_scoped3A_58 : memref<!tpu.dma_semaphore, #tpu.memory_space<semaphore_mem>>)
        %dma_wait3A = arith.constant 0 : i32
        %dma_wait3A_63 = tpu.memref_slice %arg8[%run_scoped3A_42, %dma_wait3A] : memref<23x128xi32, #tpu.memory_space<vmem>> -> memref<1x128xi32, #tpu.memory_space<vmem>>
        %dma_wait3A_64 = tpu.memref_squeeze %dma_wait3A_63 : memref<1x128xi32, #tpu.memory_space<vmem>> -> memref<128xi32, #tpu.memory_space<vmem>>
        %dma_wait3A_65 = arith.constant 0 : i32
        %dma_wait3A_66 = tpu.memref_slice %arg10[%dma_wait3A_65] : memref<100352xf32, #tpu.memory_space<vmem_shared>> -> memref<100352xf32, #tpu.memory_space<vmem_shared>>
        tpu.wait_indirect_dma semaphore(%run_scoped3A_58 : memref<!tpu.dma_semaphore, #tpu.memory_space<semaphore_mem>>) src(%dma_wait3A_66 : memref<100352xf32, #tpu.memory_space<vmem_shared>>) dst(%arg9 : memref<128xf32, #tpu.memory_space<vmem>>)
        tpu.yield
      }) : () -> ()
      %run_scoped3A_43 = arith.constant 15 : i32
      "tpu.region"() ({
        %run_scoped3A_58 = tpu.sem_alloc : memref<!tpu.dma_semaphore, #tpu.memory_space<semaphore_mem>>
        %dma_start3A = arith.constant 0 : i32
        %dma_start3A_59 = tpu.memref_slice %arg7[%run_scoped3A_43, %dma_start3A] : memref<23x128xi32, #tpu.memory_space<vmem>> -> memref<1x128xi32, #tpu.memory_space<vmem>>
        %dma_start3A_60 = tpu.memref_squeeze %dma_start3A_59 : memref<1x128xi32, #tpu.memory_space<vmem>> -> memref<128xi32, #tpu.memory_space<vmem>>
        %dma_start3A_61 = arith.constant 0 : i32
        %dma_start3A_62 = tpu.memref_slice %arg11[%dma_start3A_61] : memref<100352xf32, #tpu.memory_space<vmem_shared>> -> memref<100352xf32, #tpu.memory_space<vmem_shared>>
        tpu.enqueue_indirect_dma source(%arg9 : memref<128xf32, #tpu.memory_space<vmem>>) target(%dma_start3A_62 : memref<100352xf32, #tpu.memory_space<vmem_shared>>) offsets(%dma_start3A_60 : memref<128xi32, #tpu.memory_space<vmem>>) semaphore(%run_scoped3A_58 : memref<!tpu.dma_semaphore, #tpu.memory_space<semaphore_mem>>) {add = true}
        %dma_wait3A = arith.constant 0 : i32
        %dma_wait3A_63 = tpu.memref_slice %arg7[%run_scoped3A_43, %dma_wait3A] : memref<23x128xi32, #tpu.memory_space<vmem>> -> memref<1x128xi32, #tpu.memory_space<vmem>>
        %dma_wait3A_64 = tpu.memref_squeeze %dma_wait3A_63 : memref<1x128xi32, #tpu.memory_space<vmem>> -> memref<128xi32, #tpu.memory_space<vmem>>
        %dma_wait3A_65 = arith.constant 0 : i32
        %dma_wait3A_66 = tpu.memref_slice %arg11[%dma_wait3A_65] : memref<100352xf32, #tpu.memory_space<vmem_shared>> -> memref<100352xf32, #tpu.memory_space<vmem_shared>>
        tpu.wait_indirect_dma semaphore(%run_scoped3A_58 : memref<!tpu.dma_semaphore, #tpu.memory_space<semaphore_mem>>) src(%arg9 : memref<128xf32, #tpu.memory_space<vmem>>) dst(%dma_wait3A_66 : memref<100352xf32, #tpu.memory_space<vmem_shared>>)
        tpu.yield
      }) : () -> ()
      %run_scoped3A_44 = arith.constant 16 : i32
      "tpu.region"() ({
        %run_scoped3A_58 = tpu.sem_alloc : memref<!tpu.dma_semaphore, #tpu.memory_space<semaphore_mem>>
        %dma_start3A = arith.constant 0 : i32
        %dma_start3A_59 = tpu.memref_slice %arg8[%run_scoped3A_44, %dma_start3A] : memref<23x128xi32, #tpu.memory_space<vmem>> -> memref<1x128xi32, #tpu.memory_space<vmem>>
        %dma_start3A_60 = tpu.memref_squeeze %dma_start3A_59 : memref<1x128xi32, #tpu.memory_space<vmem>> -> memref<128xi32, #tpu.memory_space<vmem>>
        %dma_start3A_61 = arith.constant 0 : i32
        %dma_start3A_62 = tpu.memref_slice %arg10[%dma_start3A_61] : memref<100352xf32, #tpu.memory_space<vmem_shared>> -> memref<100352xf32, #tpu.memory_space<vmem_shared>>
        tpu.enqueue_indirect_dma source(%dma_start3A_62 : memref<100352xf32, #tpu.memory_space<vmem_shared>>) target(%arg9 : memref<128xf32, #tpu.memory_space<vmem>>) offsets(%dma_start3A_60 : memref<128xi32, #tpu.memory_space<vmem>>) semaphore(%run_scoped3A_58 : memref<!tpu.dma_semaphore, #tpu.memory_space<semaphore_mem>>)
        %dma_wait3A = arith.constant 0 : i32
        %dma_wait3A_63 = tpu.memref_slice %arg8[%run_scoped3A_44, %dma_wait3A] : memref<23x128xi32, #tpu.memory_space<vmem>> -> memref<1x128xi32, #tpu.memory_space<vmem>>
        %dma_wait3A_64 = tpu.memref_squeeze %dma_wait3A_63 : memref<1x128xi32, #tpu.memory_space<vmem>> -> memref<128xi32, #tpu.memory_space<vmem>>
        %dma_wait3A_65 = arith.constant 0 : i32
        %dma_wait3A_66 = tpu.memref_slice %arg10[%dma_wait3A_65] : memref<100352xf32, #tpu.memory_space<vmem_shared>> -> memref<100352xf32, #tpu.memory_space<vmem_shared>>
        tpu.wait_indirect_dma semaphore(%run_scoped3A_58 : memref<!tpu.dma_semaphore, #tpu.memory_space<semaphore_mem>>) src(%dma_wait3A_66 : memref<100352xf32, #tpu.memory_space<vmem_shared>>) dst(%arg9 : memref<128xf32, #tpu.memory_space<vmem>>)
        tpu.yield
      }) : () -> ()
      %run_scoped3A_45 = arith.constant 16 : i32
      "tpu.region"() ({
        %run_scoped3A_58 = tpu.sem_alloc : memref<!tpu.dma_semaphore, #tpu.memory_space<semaphore_mem>>
        %dma_start3A = arith.constant 0 : i32
        %dma_start3A_59 = tpu.memref_slice %arg7[%run_scoped3A_45, %dma_start3A] : memref<23x128xi32, #tpu.memory_space<vmem>> -> memref<1x128xi32, #tpu.memory_space<vmem>>
        %dma_start3A_60 = tpu.memref_squeeze %dma_start3A_59 : memref<1x128xi32, #tpu.memory_space<vmem>> -> memref<128xi32, #tpu.memory_space<vmem>>
        %dma_start3A_61 = arith.constant 0 : i32
        %dma_start3A_62 = tpu.memref_slice %arg11[%dma_start3A_61] : memref<100352xf32, #tpu.memory_space<vmem_shared>> -> memref<100352xf32, #tpu.memory_space<vmem_shared>>
        tpu.enqueue_indirect_dma source(%arg9 : memref<128xf32, #tpu.memory_space<vmem>>) target(%dma_start3A_62 : memref<100352xf32, #tpu.memory_space<vmem_shared>>) offsets(%dma_start3A_60 : memref<128xi32, #tpu.memory_space<vmem>>) semaphore(%run_scoped3A_58 : memref<!tpu.dma_semaphore, #tpu.memory_space<semaphore_mem>>) {add = true}
        %dma_wait3A = arith.constant 0 : i32
        %dma_wait3A_63 = tpu.memref_slice %arg7[%run_scoped3A_45, %dma_wait3A] : memref<23x128xi32, #tpu.memory_space<vmem>> -> memref<1x128xi32, #tpu.memory_space<vmem>>
        %dma_wait3A_64 = tpu.memref_squeeze %dma_wait3A_63 : memref<1x128xi32, #tpu.memory_space<vmem>> -> memref<128xi32, #tpu.memory_space<vmem>>
        %dma_wait3A_65 = arith.constant 0 : i32
        %dma_wait3A_66 = tpu.memref_slice %arg11[%dma_wait3A_65] : memref<100352xf32, #tpu.memory_space<vmem_shared>> -> memref<100352xf32, #tpu.memory_space<vmem_shared>>
        tpu.wait_indirect_dma semaphore(%run_scoped3A_58 : memref<!tpu.dma_semaphore, #tpu.memory_space<semaphore_mem>>) src(%arg9 : memref<128xf32, #tpu.memory_space<vmem>>) dst(%dma_wait3A_66 : memref<100352xf32, #tpu.memory_space<vmem_shared>>)
        tpu.yield
      }) : () -> ()
      %run_scoped3A_46 = arith.constant 17 : i32
      "tpu.region"() ({
        %run_scoped3A_58 = tpu.sem_alloc : memref<!tpu.dma_semaphore, #tpu.memory_space<semaphore_mem>>
        %dma_start3A = arith.constant 0 : i32
        %dma_start3A_59 = tpu.memref_slice %arg8[%run_scoped3A_46, %dma_start3A] : memref<23x128xi32, #tpu.memory_space<vmem>> -> memref<1x128xi32, #tpu.memory_space<vmem>>
        %dma_start3A_60 = tpu.memref_squeeze %dma_start3A_59 : memref<1x128xi32, #tpu.memory_space<vmem>> -> memref<128xi32, #tpu.memory_space<vmem>>
        %dma_start3A_61 = arith.constant 0 : i32
        %dma_start3A_62 = tpu.memref_slice %arg10[%dma_start3A_61] : memref<100352xf32, #tpu.memory_space<vmem_shared>> -> memref<100352xf32, #tpu.memory_space<vmem_shared>>
        tpu.enqueue_indirect_dma source(%dma_start3A_62 : memref<100352xf32, #tpu.memory_space<vmem_shared>>) target(%arg9 : memref<128xf32, #tpu.memory_space<vmem>>) offsets(%dma_start3A_60 : memref<128xi32, #tpu.memory_space<vmem>>) semaphore(%run_scoped3A_58 : memref<!tpu.dma_semaphore, #tpu.memory_space<semaphore_mem>>)
        %dma_wait3A = arith.constant 0 : i32
        %dma_wait3A_63 = tpu.memref_slice %arg8[%run_scoped3A_46, %dma_wait3A] : memref<23x128xi32, #tpu.memory_space<vmem>> -> memref<1x128xi32, #tpu.memory_space<vmem>>
        %dma_wait3A_64 = tpu.memref_squeeze %dma_wait3A_63 : memref<1x128xi32, #tpu.memory_space<vmem>> -> memref<128xi32, #tpu.memory_space<vmem>>
        %dma_wait3A_65 = arith.constant 0 : i32
        %dma_wait3A_66 = tpu.memref_slice %arg10[%dma_wait3A_65] : memref<100352xf32, #tpu.memory_space<vmem_shared>> -> memref<100352xf32, #tpu.memory_space<vmem_shared>>
        tpu.wait_indirect_dma semaphore(%run_scoped3A_58 : memref<!tpu.dma_semaphore, #tpu.memory_space<semaphore_mem>>) src(%dma_wait3A_66 : memref<100352xf32, #tpu.memory_space<vmem_shared>>) dst(%arg9 : memref<128xf32, #tpu.memory_space<vmem>>)
        tpu.yield
      }) : () -> ()
      %run_scoped3A_47 = arith.constant 17 : i32
      "tpu.region"() ({
        %run_scoped3A_58 = tpu.sem_alloc : memref<!tpu.dma_semaphore, #tpu.memory_space<semaphore_mem>>
        %dma_start3A = arith.constant 0 : i32
        %dma_start3A_59 = tpu.memref_slice %arg7[%run_scoped3A_47, %dma_start3A] : memref<23x128xi32, #tpu.memory_space<vmem>> -> memref<1x128xi32, #tpu.memory_space<vmem>>
        %dma_start3A_60 = tpu.memref_squeeze %dma_start3A_59 : memref<1x128xi32, #tpu.memory_space<vmem>> -> memref<128xi32, #tpu.memory_space<vmem>>
        %dma_start3A_61 = arith.constant 0 : i32
        %dma_start3A_62 = tpu.memref_slice %arg11[%dma_start3A_61] : memref<100352xf32, #tpu.memory_space<vmem_shared>> -> memref<100352xf32, #tpu.memory_space<vmem_shared>>
        tpu.enqueue_indirect_dma source(%arg9 : memref<128xf32, #tpu.memory_space<vmem>>) target(%dma_start3A_62 : memref<100352xf32, #tpu.memory_space<vmem_shared>>) offsets(%dma_start3A_60 : memref<128xi32, #tpu.memory_space<vmem>>) semaphore(%run_scoped3A_58 : memref<!tpu.dma_semaphore, #tpu.memory_space<semaphore_mem>>) {add = true}
        %dma_wait3A = arith.constant 0 : i32
        %dma_wait3A_63 = tpu.memref_slice %arg7[%run_scoped3A_47, %dma_wait3A] : memref<23x128xi32, #tpu.memory_space<vmem>> -> memref<1x128xi32, #tpu.memory_space<vmem>>
        %dma_wait3A_64 = tpu.memref_squeeze %dma_wait3A_63 : memref<1x128xi32, #tpu.memory_space<vmem>> -> memref<128xi32, #tpu.memory_space<vmem>>
        %dma_wait3A_65 = arith.constant 0 : i32
        %dma_wait3A_66 = tpu.memref_slice %arg11[%dma_wait3A_65] : memref<100352xf32, #tpu.memory_space<vmem_shared>> -> memref<100352xf32, #tpu.memory_space<vmem_shared>>
        tpu.wait_indirect_dma semaphore(%run_scoped3A_58 : memref<!tpu.dma_semaphore, #tpu.memory_space<semaphore_mem>>) src(%arg9 : memref<128xf32, #tpu.memory_space<vmem>>) dst(%dma_wait3A_66 : memref<100352xf32, #tpu.memory_space<vmem_shared>>)
        tpu.yield
      }) : () -> ()
      %run_scoped3A_48 = arith.constant 18 : i32
      "tpu.region"() ({
        %run_scoped3A_58 = tpu.sem_alloc : memref<!tpu.dma_semaphore, #tpu.memory_space<semaphore_mem>>
        %dma_start3A = arith.constant 0 : i32
        %dma_start3A_59 = tpu.memref_slice %arg8[%run_scoped3A_48, %dma_start3A] : memref<23x128xi32, #tpu.memory_space<vmem>> -> memref<1x128xi32, #tpu.memory_space<vmem>>
        %dma_start3A_60 = tpu.memref_squeeze %dma_start3A_59 : memref<1x128xi32, #tpu.memory_space<vmem>> -> memref<128xi32, #tpu.memory_space<vmem>>
        %dma_start3A_61 = arith.constant 0 : i32
        %dma_start3A_62 = tpu.memref_slice %arg10[%dma_start3A_61] : memref<100352xf32, #tpu.memory_space<vmem_shared>> -> memref<100352xf32, #tpu.memory_space<vmem_shared>>
        tpu.enqueue_indirect_dma source(%dma_start3A_62 : memref<100352xf32, #tpu.memory_space<vmem_shared>>) target(%arg9 : memref<128xf32, #tpu.memory_space<vmem>>) offsets(%dma_start3A_60 : memref<128xi32, #tpu.memory_space<vmem>>) semaphore(%run_scoped3A_58 : memref<!tpu.dma_semaphore, #tpu.memory_space<semaphore_mem>>)
        %dma_wait3A = arith.constant 0 : i32
        %dma_wait3A_63 = tpu.memref_slice %arg8[%run_scoped3A_48, %dma_wait3A] : memref<23x128xi32, #tpu.memory_space<vmem>> -> memref<1x128xi32, #tpu.memory_space<vmem>>
        %dma_wait3A_64 = tpu.memref_squeeze %dma_wait3A_63 : memref<1x128xi32, #tpu.memory_space<vmem>> -> memref<128xi32, #tpu.memory_space<vmem>>
        %dma_wait3A_65 = arith.constant 0 : i32
        %dma_wait3A_66 = tpu.memref_slice %arg10[%dma_wait3A_65] : memref<100352xf32, #tpu.memory_space<vmem_shared>> -> memref<100352xf32, #tpu.memory_space<vmem_shared>>
        tpu.wait_indirect_dma semaphore(%run_scoped3A_58 : memref<!tpu.dma_semaphore, #tpu.memory_space<semaphore_mem>>) src(%dma_wait3A_66 : memref<100352xf32, #tpu.memory_space<vmem_shared>>) dst(%arg9 : memref<128xf32, #tpu.memory_space<vmem>>)
        tpu.yield
      }) : () -> ()
      %run_scoped3A_49 = arith.constant 18 : i32
      "tpu.region"() ({
        %run_scoped3A_58 = tpu.sem_alloc : memref<!tpu.dma_semaphore, #tpu.memory_space<semaphore_mem>>
        %dma_start3A = arith.constant 0 : i32
        %dma_start3A_59 = tpu.memref_slice %arg7[%run_scoped3A_49, %dma_start3A] : memref<23x128xi32, #tpu.memory_space<vmem>> -> memref<1x128xi32, #tpu.memory_space<vmem>>
        %dma_start3A_60 = tpu.memref_squeeze %dma_start3A_59 : memref<1x128xi32, #tpu.memory_space<vmem>> -> memref<128xi32, #tpu.memory_space<vmem>>
        %dma_start3A_61 = arith.constant 0 : i32
        %dma_start3A_62 = tpu.memref_slice %arg11[%dma_start3A_61] : memref<100352xf32, #tpu.memory_space<vmem_shared>> -> memref<100352xf32, #tpu.memory_space<vmem_shared>>
        tpu.enqueue_indirect_dma source(%arg9 : memref<128xf32, #tpu.memory_space<vmem>>) target(%dma_start3A_62 : memref<100352xf32, #tpu.memory_space<vmem_shared>>) offsets(%dma_start3A_60 : memref<128xi32, #tpu.memory_space<vmem>>) semaphore(%run_scoped3A_58 : memref<!tpu.dma_semaphore, #tpu.memory_space<semaphore_mem>>) {add = true}
        %dma_wait3A = arith.constant 0 : i32
        %dma_wait3A_63 = tpu.memref_slice %arg7[%run_scoped3A_49, %dma_wait3A] : memref<23x128xi32, #tpu.memory_space<vmem>> -> memref<1x128xi32, #tpu.memory_space<vmem>>
        %dma_wait3A_64 = tpu.memref_squeeze %dma_wait3A_63 : memref<1x128xi32, #tpu.memory_space<vmem>> -> memref<128xi32, #tpu.memory_space<vmem>>
        %dma_wait3A_65 = arith.constant 0 : i32
        %dma_wait3A_66 = tpu.memref_slice %arg11[%dma_wait3A_65] : memref<100352xf32, #tpu.memory_space<vmem_shared>> -> memref<100352xf32, #tpu.memory_space<vmem_shared>>
        tpu.wait_indirect_dma semaphore(%run_scoped3A_58 : memref<!tpu.dma_semaphore, #tpu.memory_space<semaphore_mem>>) src(%arg9 : memref<128xf32, #tpu.memory_space<vmem>>) dst(%dma_wait3A_66 : memref<100352xf32, #tpu.memory_space<vmem_shared>>)
        tpu.yield
      }) : () -> ()
      %run_scoped3A_50 = arith.constant 19 : i32
      "tpu.region"() ({
        %run_scoped3A_58 = tpu.sem_alloc : memref<!tpu.dma_semaphore, #tpu.memory_space<semaphore_mem>>
        %dma_start3A = arith.constant 0 : i32
        %dma_start3A_59 = tpu.memref_slice %arg8[%run_scoped3A_50, %dma_start3A] : memref<23x128xi32, #tpu.memory_space<vmem>> -> memref<1x128xi32, #tpu.memory_space<vmem>>
        %dma_start3A_60 = tpu.memref_squeeze %dma_start3A_59 : memref<1x128xi32, #tpu.memory_space<vmem>> -> memref<128xi32, #tpu.memory_space<vmem>>
        %dma_start3A_61 = arith.constant 0 : i32
        %dma_start3A_62 = tpu.memref_slice %arg10[%dma_start3A_61] : memref<100352xf32, #tpu.memory_space<vmem_shared>> -> memref<100352xf32, #tpu.memory_space<vmem_shared>>
        tpu.enqueue_indirect_dma source(%dma_start3A_62 : memref<100352xf32, #tpu.memory_space<vmem_shared>>) target(%arg9 : memref<128xf32, #tpu.memory_space<vmem>>) offsets(%dma_start3A_60 : memref<128xi32, #tpu.memory_space<vmem>>) semaphore(%run_scoped3A_58 : memref<!tpu.dma_semaphore, #tpu.memory_space<semaphore_mem>>)
        %dma_wait3A = arith.constant 0 : i32
        %dma_wait3A_63 = tpu.memref_slice %arg8[%run_scoped3A_50, %dma_wait3A] : memref<23x128xi32, #tpu.memory_space<vmem>> -> memref<1x128xi32, #tpu.memory_space<vmem>>
        %dma_wait3A_64 = tpu.memref_squeeze %dma_wait3A_63 : memref<1x128xi32, #tpu.memory_space<vmem>> -> memref<128xi32, #tpu.memory_space<vmem>>
        %dma_wait3A_65 = arith.constant 0 : i32
        %dma_wait3A_66 = tpu.memref_slice %arg10[%dma_wait3A_65] : memref<100352xf32, #tpu.memory_space<vmem_shared>> -> memref<100352xf32, #tpu.memory_space<vmem_shared>>
        tpu.wait_indirect_dma semaphore(%run_scoped3A_58 : memref<!tpu.dma_semaphore, #tpu.memory_space<semaphore_mem>>) src(%dma_wait3A_66 : memref<100352xf32, #tpu.memory_space<vmem_shared>>) dst(%arg9 : memref<128xf32, #tpu.memory_space<vmem>>)
        tpu.yield
      }) : () -> ()
      %run_scoped3A_51 = arith.constant 19 : i32
      "tpu.region"() ({
        %run_scoped3A_58 = tpu.sem_alloc : memref<!tpu.dma_semaphore, #tpu.memory_space<semaphore_mem>>
        %dma_start3A = arith.constant 0 : i32
        %dma_start3A_59 = tpu.memref_slice %arg7[%run_scoped3A_51, %dma_start3A] : memref<23x128xi32, #tpu.memory_space<vmem>> -> memref<1x128xi32, #tpu.memory_space<vmem>>
        %dma_start3A_60 = tpu.memref_squeeze %dma_start3A_59 : memref<1x128xi32, #tpu.memory_space<vmem>> -> memref<128xi32, #tpu.memory_space<vmem>>
        %dma_start3A_61 = arith.constant 0 : i32
        %dma_start3A_62 = tpu.memref_slice %arg11[%dma_start3A_61] : memref<100352xf32, #tpu.memory_space<vmem_shared>> -> memref<100352xf32, #tpu.memory_space<vmem_shared>>
        tpu.enqueue_indirect_dma source(%arg9 : memref<128xf32, #tpu.memory_space<vmem>>) target(%dma_start3A_62 : memref<100352xf32, #tpu.memory_space<vmem_shared>>) offsets(%dma_start3A_60 : memref<128xi32, #tpu.memory_space<vmem>>) semaphore(%run_scoped3A_58 : memref<!tpu.dma_semaphore, #tpu.memory_space<semaphore_mem>>) {add = true}
        %dma_wait3A = arith.constant 0 : i32
        %dma_wait3A_63 = tpu.memref_slice %arg7[%run_scoped3A_51, %dma_wait3A] : memref<23x128xi32, #tpu.memory_space<vmem>> -> memref<1x128xi32, #tpu.memory_space<vmem>>
        %dma_wait3A_64 = tpu.memref_squeeze %dma_wait3A_63 : memref<1x128xi32, #tpu.memory_space<vmem>> -> memref<128xi32, #tpu.memory_space<vmem>>
        %dma_wait3A_65 = arith.constant 0 : i32
        %dma_wait3A_66 = tpu.memref_slice %arg11[%dma_wait3A_65] : memref<100352xf32, #tpu.memory_space<vmem_shared>> -> memref<100352xf32, #tpu.memory_space<vmem_shared>>
        tpu.wait_indirect_dma semaphore(%run_scoped3A_58 : memref<!tpu.dma_semaphore, #tpu.memory_space<semaphore_mem>>) src(%arg9 : memref<128xf32, #tpu.memory_space<vmem>>) dst(%dma_wait3A_66 : memref<100352xf32, #tpu.memory_space<vmem_shared>>)
        tpu.yield
      }) : () -> ()
      %run_scoped3A_52 = arith.constant 20 : i32
      "tpu.region"() ({
        %run_scoped3A_58 = tpu.sem_alloc : memref<!tpu.dma_semaphore, #tpu.memory_space<semaphore_mem>>
        %dma_start3A = arith.constant 0 : i32
        %dma_start3A_59 = tpu.memref_slice %arg8[%run_scoped3A_52, %dma_start3A] : memref<23x128xi32, #tpu.memory_space<vmem>> -> memref<1x128xi32, #tpu.memory_space<vmem>>
        %dma_start3A_60 = tpu.memref_squeeze %dma_start3A_59 : memref<1x128xi32, #tpu.memory_space<vmem>> -> memref<128xi32, #tpu.memory_space<vmem>>
        %dma_start3A_61 = arith.constant 0 : i32
        %dma_start3A_62 = tpu.memref_slice %arg10[%dma_start3A_61] : memref<100352xf32, #tpu.memory_space<vmem_shared>> -> memref<100352xf32, #tpu.memory_space<vmem_shared>>
        tpu.enqueue_indirect_dma source(%dma_start3A_62 : memref<100352xf32, #tpu.memory_space<vmem_shared>>) target(%arg9 : memref<128xf32, #tpu.memory_space<vmem>>) offsets(%dma_start3A_60 : memref<128xi32, #tpu.memory_space<vmem>>) semaphore(%run_scoped3A_58 : memref<!tpu.dma_semaphore, #tpu.memory_space<semaphore_mem>>)
        %dma_wait3A = arith.constant 0 : i32
        %dma_wait3A_63 = tpu.memref_slice %arg8[%run_scoped3A_52, %dma_wait3A] : memref<23x128xi32, #tpu.memory_space<vmem>> -> memref<1x128xi32, #tpu.memory_space<vmem>>
        %dma_wait3A_64 = tpu.memref_squeeze %dma_wait3A_63 : memref<1x128xi32, #tpu.memory_space<vmem>> -> memref<128xi32, #tpu.memory_space<vmem>>
        %dma_wait3A_65 = arith.constant 0 : i32
        %dma_wait3A_66 = tpu.memref_slice %arg10[%dma_wait3A_65] : memref<100352xf32, #tpu.memory_space<vmem_shared>> -> memref<100352xf32, #tpu.memory_space<vmem_shared>>
        tpu.wait_indirect_dma semaphore(%run_scoped3A_58 : memref<!tpu.dma_semaphore, #tpu.memory_space<semaphore_mem>>) src(%dma_wait3A_66 : memref<100352xf32, #tpu.memory_space<vmem_shared>>) dst(%arg9 : memref<128xf32, #tpu.memory_space<vmem>>)
        tpu.yield
      }) : () -> ()
      %run_scoped3A_53 = arith.constant 20 : i32
      "tpu.region"() ({
        %run_scoped3A_58 = tpu.sem_alloc : memref<!tpu.dma_semaphore, #tpu.memory_space<semaphore_mem>>
        %dma_start3A = arith.constant 0 : i32
        %dma_start3A_59 = tpu.memref_slice %arg7[%run_scoped3A_53, %dma_start3A] : memref<23x128xi32, #tpu.memory_space<vmem>> -> memref<1x128xi32, #tpu.memory_space<vmem>>
        %dma_start3A_60 = tpu.memref_squeeze %dma_start3A_59 : memref<1x128xi32, #tpu.memory_space<vmem>> -> memref<128xi32, #tpu.memory_space<vmem>>
        %dma_start3A_61 = arith.constant 0 : i32
        %dma_start3A_62 = tpu.memref_slice %arg11[%dma_start3A_61] : memref<100352xf32, #tpu.memory_space<vmem_shared>> -> memref<100352xf32, #tpu.memory_space<vmem_shared>>
        tpu.enqueue_indirect_dma source(%arg9 : memref<128xf32, #tpu.memory_space<vmem>>) target(%dma_start3A_62 : memref<100352xf32, #tpu.memory_space<vmem_shared>>) offsets(%dma_start3A_60 : memref<128xi32, #tpu.memory_space<vmem>>) semaphore(%run_scoped3A_58 : memref<!tpu.dma_semaphore, #tpu.memory_space<semaphore_mem>>) {add = true}
        %dma_wait3A = arith.constant 0 : i32
        %dma_wait3A_63 = tpu.memref_slice %arg7[%run_scoped3A_53, %dma_wait3A] : memref<23x128xi32, #tpu.memory_space<vmem>> -> memref<1x128xi32, #tpu.memory_space<vmem>>
        %dma_wait3A_64 = tpu.memref_squeeze %dma_wait3A_63 : memref<1x128xi32, #tpu.memory_space<vmem>> -> memref<128xi32, #tpu.memory_space<vmem>>
        %dma_wait3A_65 = arith.constant 0 : i32
        %dma_wait3A_66 = tpu.memref_slice %arg11[%dma_wait3A_65] : memref<100352xf32, #tpu.memory_space<vmem_shared>> -> memref<100352xf32, #tpu.memory_space<vmem_shared>>
        tpu.wait_indirect_dma semaphore(%run_scoped3A_58 : memref<!tpu.dma_semaphore, #tpu.memory_space<semaphore_mem>>) src(%arg9 : memref<128xf32, #tpu.memory_space<vmem>>) dst(%dma_wait3A_66 : memref<100352xf32, #tpu.memory_space<vmem_shared>>)
        tpu.yield
      }) : () -> ()
      %run_scoped3A_54 = arith.constant 21 : i32
      "tpu.region"() ({
        %run_scoped3A_58 = tpu.sem_alloc : memref<!tpu.dma_semaphore, #tpu.memory_space<semaphore_mem>>
        %dma_start3A = arith.constant 0 : i32
        %dma_start3A_59 = tpu.memref_slice %arg8[%run_scoped3A_54, %dma_start3A] : memref<23x128xi32, #tpu.memory_space<vmem>> -> memref<1x128xi32, #tpu.memory_space<vmem>>
        %dma_start3A_60 = tpu.memref_squeeze %dma_start3A_59 : memref<1x128xi32, #tpu.memory_space<vmem>> -> memref<128xi32, #tpu.memory_space<vmem>>
        %dma_start3A_61 = arith.constant 0 : i32
        %dma_start3A_62 = tpu.memref_slice %arg10[%dma_start3A_61] : memref<100352xf32, #tpu.memory_space<vmem_shared>> -> memref<100352xf32, #tpu.memory_space<vmem_shared>>
        tpu.enqueue_indirect_dma source(%dma_start3A_62 : memref<100352xf32, #tpu.memory_space<vmem_shared>>) target(%arg9 : memref<128xf32, #tpu.memory_space<vmem>>) offsets(%dma_start3A_60 : memref<128xi32, #tpu.memory_space<vmem>>) semaphore(%run_scoped3A_58 : memref<!tpu.dma_semaphore, #tpu.memory_space<semaphore_mem>>)
        %dma_wait3A = arith.constant 0 : i32
        %dma_wait3A_63 = tpu.memref_slice %arg8[%run_scoped3A_54, %dma_wait3A] : memref<23x128xi32, #tpu.memory_space<vmem>> -> memref<1x128xi32, #tpu.memory_space<vmem>>
        %dma_wait3A_64 = tpu.memref_squeeze %dma_wait3A_63 : memref<1x128xi32, #tpu.memory_space<vmem>> -> memref<128xi32, #tpu.memory_space<vmem>>
        %dma_wait3A_65 = arith.constant 0 : i32
        %dma_wait3A_66 = tpu.memref_slice %arg10[%dma_wait3A_65] : memref<100352xf32, #tpu.memory_space<vmem_shared>> -> memref<100352xf32, #tpu.memory_space<vmem_shared>>
        tpu.wait_indirect_dma semaphore(%run_scoped3A_58 : memref<!tpu.dma_semaphore, #tpu.memory_space<semaphore_mem>>) src(%dma_wait3A_66 : memref<100352xf32, #tpu.memory_space<vmem_shared>>) dst(%arg9 : memref<128xf32, #tpu.memory_space<vmem>>)
        tpu.yield
      }) : () -> ()
      %run_scoped3A_55 = arith.constant 21 : i32
      "tpu.region"() ({
        %run_scoped3A_58 = tpu.sem_alloc : memref<!tpu.dma_semaphore, #tpu.memory_space<semaphore_mem>>
        %dma_start3A = arith.constant 0 : i32
        %dma_start3A_59 = tpu.memref_slice %arg7[%run_scoped3A_55, %dma_start3A] : memref<23x128xi32, #tpu.memory_space<vmem>> -> memref<1x128xi32, #tpu.memory_space<vmem>>
        %dma_start3A_60 = tpu.memref_squeeze %dma_start3A_59 : memref<1x128xi32, #tpu.memory_space<vmem>> -> memref<128xi32, #tpu.memory_space<vmem>>
        %dma_start3A_61 = arith.constant 0 : i32
        %dma_start3A_62 = tpu.memref_slice %arg11[%dma_start3A_61] : memref<100352xf32, #tpu.memory_space<vmem_shared>> -> memref<100352xf32, #tpu.memory_space<vmem_shared>>
        tpu.enqueue_indirect_dma source(%arg9 : memref<128xf32, #tpu.memory_space<vmem>>) target(%dma_start3A_62 : memref<100352xf32, #tpu.memory_space<vmem_shared>>) offsets(%dma_start3A_60 : memref<128xi32, #tpu.memory_space<vmem>>) semaphore(%run_scoped3A_58 : memref<!tpu.dma_semaphore, #tpu.memory_space<semaphore_mem>>) {add = true}
        %dma_wait3A = arith.constant 0 : i32
        %dma_wait3A_63 = tpu.memref_slice %arg7[%run_scoped3A_55, %dma_wait3A] : memref<23x128xi32, #tpu.memory_space<vmem>> -> memref<1x128xi32, #tpu.memory_space<vmem>>
        %dma_wait3A_64 = tpu.memref_squeeze %dma_wait3A_63 : memref<1x128xi32, #tpu.memory_space<vmem>> -> memref<128xi32, #tpu.memory_space<vmem>>
        %dma_wait3A_65 = arith.constant 0 : i32
        %dma_wait3A_66 = tpu.memref_slice %arg11[%dma_wait3A_65] : memref<100352xf32, #tpu.memory_space<vmem_shared>> -> memref<100352xf32, #tpu.memory_space<vmem_shared>>
        tpu.wait_indirect_dma semaphore(%run_scoped3A_58 : memref<!tpu.dma_semaphore, #tpu.memory_space<semaphore_mem>>) src(%arg9 : memref<128xf32, #tpu.memory_space<vmem>>) dst(%dma_wait3A_66 : memref<100352xf32, #tpu.memory_space<vmem_shared>>)
        tpu.yield
      }) : () -> ()
      %run_scoped3A_56 = arith.constant 22 : i32
      "tpu.region"() ({
        %run_scoped3A_58 = tpu.sem_alloc : memref<!tpu.dma_semaphore, #tpu.memory_space<semaphore_mem>>
        %dma_start3A = arith.constant 0 : i32
        %dma_start3A_59 = tpu.memref_slice %arg8[%run_scoped3A_56, %dma_start3A] : memref<23x128xi32, #tpu.memory_space<vmem>> -> memref<1x128xi32, #tpu.memory_space<vmem>>
        %dma_start3A_60 = tpu.memref_squeeze %dma_start3A_59 : memref<1x128xi32, #tpu.memory_space<vmem>> -> memref<128xi32, #tpu.memory_space<vmem>>
        %dma_start3A_61 = arith.constant 0 : i32
        %dma_start3A_62 = tpu.memref_slice %arg10[%dma_start3A_61] : memref<100352xf32, #tpu.memory_space<vmem_shared>> -> memref<100352xf32, #tpu.memory_space<vmem_shared>>
        tpu.enqueue_indirect_dma source(%dma_start3A_62 : memref<100352xf32, #tpu.memory_space<vmem_shared>>) target(%arg9 : memref<128xf32, #tpu.memory_space<vmem>>) offsets(%dma_start3A_60 : memref<128xi32, #tpu.memory_space<vmem>>) semaphore(%run_scoped3A_58 : memref<!tpu.dma_semaphore, #tpu.memory_space<semaphore_mem>>)
        %dma_wait3A = arith.constant 0 : i32
        %dma_wait3A_63 = tpu.memref_slice %arg8[%run_scoped3A_56, %dma_wait3A] : memref<23x128xi32, #tpu.memory_space<vmem>> -> memref<1x128xi32, #tpu.memory_space<vmem>>
        %dma_wait3A_64 = tpu.memref_squeeze %dma_wait3A_63 : memref<1x128xi32, #tpu.memory_space<vmem>> -> memref<128xi32, #tpu.memory_space<vmem>>
        %dma_wait3A_65 = arith.constant 0 : i32
        %dma_wait3A_66 = tpu.memref_slice %arg10[%dma_wait3A_65] : memref<100352xf32, #tpu.memory_space<vmem_shared>> -> memref<100352xf32, #tpu.memory_space<vmem_shared>>
        tpu.wait_indirect_dma semaphore(%run_scoped3A_58 : memref<!tpu.dma_semaphore, #tpu.memory_space<semaphore_mem>>) src(%dma_wait3A_66 : memref<100352xf32, #tpu.memory_space<vmem_shared>>) dst(%arg9 : memref<128xf32, #tpu.memory_space<vmem>>)
        tpu.yield
      }) : () -> ()
      %run_scoped3A_57 = arith.constant 22 : i32
      "tpu.region"() ({
        %run_scoped3A_58 = tpu.sem_alloc : memref<!tpu.dma_semaphore, #tpu.memory_space<semaphore_mem>>
        %dma_start3A = arith.constant 0 : i32
        %dma_start3A_59 = tpu.memref_slice %arg7[%run_scoped3A_57, %dma_start3A] : memref<23x128xi32, #tpu.memory_space<vmem>> -> memref<1x128xi32, #tpu.memory_space<vmem>>
        %dma_start3A_60 = tpu.memref_squeeze %dma_start3A_59 : memref<1x128xi32, #tpu.memory_space<vmem>> -> memref<128xi32, #tpu.memory_space<vmem>>
        %dma_start3A_61 = arith.constant 0 : i32
        %dma_start3A_62 = tpu.memref_slice %arg11[%dma_start3A_61] : memref<100352xf32, #tpu.memory_space<vmem_shared>> -> memref<100352xf32, #tpu.memory_space<vmem_shared>>
        tpu.enqueue_indirect_dma source(%arg9 : memref<128xf32, #tpu.memory_space<vmem>>) target(%dma_start3A_62 : memref<100352xf32, #tpu.memory_space<vmem_shared>>) offsets(%dma_start3A_60 : memref<128xi32, #tpu.memory_space<vmem>>) semaphore(%run_scoped3A_58 : memref<!tpu.dma_semaphore, #tpu.memory_space<semaphore_mem>>) {add = true}
        %dma_wait3A = arith.constant 0 : i32
        %dma_wait3A_63 = tpu.memref_slice %arg7[%run_scoped3A_57, %dma_wait3A] : memref<23x128xi32, #tpu.memory_space<vmem>> -> memref<1x128xi32, #tpu.memory_space<vmem>>
        %dma_wait3A_64 = tpu.memref_squeeze %dma_wait3A_63 : memref<1x128xi32, #tpu.memory_space<vmem>> -> memref<128xi32, #tpu.memory_space<vmem>>
        %dma_wait3A_65 = arith.constant 0 : i32
        %dma_wait3A_66 = tpu.memref_slice %arg11[%dma_wait3A_65] : memref<100352xf32, #tpu.memory_space<vmem_shared>> -> memref<100352xf32, #tpu.memory_space<vmem_shared>>
        tpu.wait_indirect_dma semaphore(%run_scoped3A_58 : memref<!tpu.dma_semaphore, #tpu.memory_space<semaphore_mem>>) src(%arg9 : memref<128xf32, #tpu.memory_space<vmem>>) dst(%dma_wait3A_66 : memref<100352xf32, #tpu.memory_space<vmem_shared>>)
        tpu.yield
      }) : () -> ()
    }
    %scan3A_7 = arith.constant 34 : i32
    %barrier3A_8 = arith.constant 0 : index
    tpu.barrier barrier_id(%barrier3A_8)
    "tpu.region"() ({
      %run_scoped3A = tpu.sem_alloc : memref<!tpu.dma_semaphore, #tpu.memory_space<semaphore_mem>>
      %dma_start3A = tpu.memref_slice %arg6[%arg0, %mul3A_2] : memref<2x100352xf32, #tpu.memory_space<hbm>> -> memref<1x6272xf32, #tpu.memory_space<hbm>>
      %dma_start3A_9 = tpu.memref_squeeze %dma_start3A : memref<1x6272xf32, #tpu.memory_space<hbm>> -> memref<6272xf32, #tpu.memory_space<hbm>>
      %dma_start3A_10 = tpu.memref_slice %arg11[%mul3A_2] : memref<100352xf32, #tpu.memory_space<vmem_shared>> -> memref<6272xf32, #tpu.memory_space<vmem_shared>>
      tpu.enqueue_dma source(%dma_start3A_10 : memref<6272xf32, #tpu.memory_space<vmem_shared>>) target(%dma_start3A_9 : memref<6272xf32, #tpu.memory_space<hbm>>) target_semaphore(%run_scoped3A : memref<!tpu.dma_semaphore, #tpu.memory_space<semaphore_mem>>)
      %dma_wait3A = tpu.memref_slice %arg6[%arg0, %mul3A_2] : memref<2x100352xf32, #tpu.memory_space<hbm>> -> memref<1x6272xf32, #tpu.memory_space<hbm>>
      %dma_wait3A_11 = tpu.memref_squeeze %dma_wait3A : memref<1x6272xf32, #tpu.memory_space<hbm>> -> memref<6272xf32, #tpu.memory_space<hbm>>
      %dma_wait3A_12 = tpu.memref_slice %arg11[%mul3A_2] : memref<100352xf32, #tpu.memory_space<vmem_shared>> -> memref<6272xf32, #tpu.memory_space<vmem_shared>>
      tpu.wait_dma2 semaphore(%run_scoped3A : memref<!tpu.dma_semaphore, #tpu.memory_space<semaphore_mem>>) src(%dma_wait3A_12 : memref<6272xf32, #tpu.memory_space<vmem_shared>>) dst(%dma_wait3A_11 : memref<6272xf32, #tpu.memory_space<hbm>>)
      tpu.yield
    }) : () -> ()
    return
  }
}

module attributes {stable_mosaic.version = 14 : i64} {
  func.func @_mlp_body(%arg0: i32, %arg1: memref<1024x128xf32, #tpu.memory_space<vmem>>, %arg2: memref<128x128xf32, #tpu.memory_space<vmem>>, %arg3: memref<1x128xf32, #tpu.memory_space<vmem>>, %arg4: memref<1x128xf32, #tpu.memory_space<vmem>>, %arg5: memref<1xf32, #tpu.memory_space<smem>>, %arg6: memref<8x128xf32, #tpu.memory_space<vmem>>) attributes {dimension_semantics = [#tpu.dimension_semantics<arbitrary>], iteration_bounds = array<i64: 98>, scalar_prefetch = 0 : i64, scratch_operands = 0 : i64, tpu.core_type = #tpu.core_type<tc>, window_params = [{transform_indices = @transform_0, window_bounds = array<i64: 1024, 128>}, {pipeline_mode = #tpu.pipeline_mode<synchronous>, transform_indices = @transform_1, window_bounds = array<i64: 128, 128>}, {pipeline_mode = #tpu.pipeline_mode<synchronous>, transform_indices = @transform_2, window_bounds = array<i64: 1, 128>}, {pipeline_mode = #tpu.pipeline_mode<synchronous>, transform_indices = @transform_3, window_bounds = array<i64: 1, 128>}, {transform_indices = @transform_4, window_bounds = array<i64: 1>}, {transform_indices = @transform_5, window_bounds = array<i64: 8, 128>}]} {
    %get3A = arith.constant 0 : index
    %get3A_0 = arith.constant 0 : index
    %get3A_1 = vector.load %arg1[%get3A, %get3A_0] : memref<1024x128xf32, #tpu.memory_space<vmem>>, vector<1024x128xf32>
    %get3A_2 = arith.constant 0 : index
    %get3A_3 = arith.constant 0 : index
    %get3A_4 = vector.load %arg2[%get3A_2, %get3A_3] : memref<128x128xf32, #tpu.memory_space<vmem>>, vector<128x128xf32>
    %dot_general3A = arith.constant dense<0.000000e+00> : vector<1024x128xf32>
    %dot_general3A_5 = tpu.matmul %get3A_1, %get3A_4, %dot_general3A {dimension_numbers = #tpu.dot_dimension_numbers<[1], [1], [0], [0], [0, 0, 1, 0], [], []>, transpose_lhs_hint = false} : vector<1024x128xf32>, vector<128x128xf32>, vector<1024x128xf32> -> vector<1024x128xf32>
    %get3A_6 = arith.constant 0 : index
    %get3A_7 = arith.constant 0 : index
    %get3A_8 = vector.load %arg3[%get3A_6, %get3A_7] : memref<1x128xf32, #tpu.memory_space<vmem>>, vector<1x128xf32>
    %add3A = vector.broadcast %get3A_8 : vector<1x128xf32> to vector<1024x128xf32>
    %add3A_9 = arith.addf %dot_general3A_5, %add3A : vector<1024x128xf32>
    %max3A = arith.constant 0.000000e+00 : f32
    %max3A_10 = vector.broadcast %max3A : f32 to vector<1024x128xf32>
    %max3A_11 = arith.maximumf %add3A_9, %max3A_10 : vector<1024x128xf32>
    %get3A_12 = arith.constant 0 : index
    %get3A_13 = arith.constant 0 : index
    %get3A_14 = vector.load %arg4[%get3A_12, %get3A_13] : memref<1x128xf32, #tpu.memory_space<vmem>>, vector<1x128xf32>
    %mul3A = vector.broadcast %get3A_14 : vector<1x128xf32> to vector<1024x128xf32>
    %mul3A_15 = arith.mulf %max3A_11, %mul3A : vector<1024x128xf32>
    %reduce_sum3A = arith.constant dense<0.000000e+00> : vector<1024xf32>
    %reduce_sum3A_16 = vector.multi_reduction <add>, %mul3A_15, %reduce_sum3A [1] : vector<1024x128xf32> to vector<1024xf32>
    %get3A_17 = arith.constant 0 : index
    %get3A_18 = memref.load %arg5[%get3A_17] : memref<1xf32, #tpu.memory_space<smem>>
    %add3A_19 = vector.broadcast %get3A_18 : f32 to vector<1024xf32>
    %add3A_20 = arith.addf %reduce_sum3A_16, %add3A_19 : vector<1024xf32>
    %reshape3A = vector.shape_cast %add3A_20 : vector<1024xf32> to vector<8x128xf32>
    %swap3A = arith.constant 0 : index
    %swap3A_21 = arith.constant 0 : index
    %swap3A_22 = vector.load %arg6[%swap3A, %swap3A_21] : memref<8x128xf32, #tpu.memory_space<vmem>>, vector<8x128xf32>
    tpu.vector_store %arg6[%swap3A, %swap3A_21], %reshape3A {strides = array<i32>} : memref<8x128xf32, #tpu.memory_space<vmem>>, vector<8x128xf32>,
    return
  }
  func.func @transform_0(%arg0: i32) -> (i32, i32) {
    %c0_i32 = arith.constant 0 : i32
    %c0_i32_0 = arith.constant 0 : i32
    return %arg0, %c0_i32 : i32, i32
  }
  func.func @transform_1(%arg0: i32) -> (i32, i32) {
    %c0_i32 = arith.constant 0 : i32
    %c0_i32_0 = arith.constant 0 : i32
    %c0_i32_1 = arith.constant 0 : i32
    return %c0_i32, %c0_i32_0 : i32, i32
  }
  func.func @transform_2(%arg0: i32) -> (i32, i32) {
    %c0_i32 = arith.constant 0 : i32
    %c0_i32_0 = arith.constant 0 : i32
    %c0_i32_1 = arith.constant 0 : i32
    return %c0_i32, %c0_i32_0 : i32, i32
  }
  func.func @transform_3(%arg0: i32) -> (i32, i32) {
    %c0_i32 = arith.constant 0 : i32
    %c0_i32_0 = arith.constant 0 : i32
    %c0_i32_1 = arith.constant 0 : i32
    return %c0_i32, %c0_i32_0 : i32, i32
  }
  func.func @transform_4(%arg0: i32) -> i32 {
    %c0_i32 = arith.constant 0 : i32
    %c0_i32_0 = arith.constant 0 : i32
    return %c0_i32 : i32
  }
  func.func @transform_5(%arg0: i32) -> (i32, i32) {
    %c0_i32 = arith.constant 0 : i32
    %c0_i32_0 = arith.constant 0 : i32
    return %arg0, %c0_i32 : i32, i32
  }
}

module attributes {stable_mosaic.version = 14 : i64} {
  func.func @_combine_body(%arg0: i32, %arg1: memref<8x128xf32, #tpu.memory_space<vmem>>, %arg2: memref<2x8x128xf32, #tpu.memory_space<vmem>>, %arg3: memref<8x128xf32, #tpu.memory_space<vmem>>) attributes {dimension_semantics = [#tpu.dimension_semantics<arbitrary>], iteration_bounds = array<i64: 98>, scalar_prefetch = 0 : i64, scratch_operands = 0 : i64, tpu.core_type = #tpu.core_type<tc>, window_params = [{transform_indices = @transform_0, window_bounds = array<i64: 8, 128>}, {transform_indices = @transform_1, window_bounds = array<i64: 2, 8, 128>}, {transform_indices = @transform_2, window_bounds = array<i64: 8, 128>}]} {
    %get3A = arith.constant 0 : index
    %get3A_0 = arith.constant 0 : index
    %get3A_1 = vector.load %arg1[%get3A, %get3A_0] : memref<8x128xf32, #tpu.memory_space<vmem>>, vector<8x128xf32>
    %get3A_2 = arith.constant 0 : index
    %get3A_3 = arith.constant 0 : index
    %get3A_4 = arith.constant 0 : index
    %get3A_5 = vector.load %arg2[%get3A_2, %get3A_3, %get3A_4] : memref<2x8x128xf32, #tpu.memory_space<vmem>>, vector<1x8x128xf32>
    %get3A_6 = vector.shape_cast %get3A_5 : vector<1x8x128xf32> to vector<8x128xf32>
    %get3A_7 = arith.constant 1 : index
    %get3A_8 = arith.constant 0 : index
    %get3A_9 = arith.constant 0 : index
    %get3A_10 = vector.load %arg2[%get3A_7, %get3A_8, %get3A_9] : memref<2x8x128xf32, #tpu.memory_space<vmem>>, vector<1x8x128xf32>
    %get3A_11 = vector.shape_cast %get3A_10 : vector<1x8x128xf32> to vector<8x128xf32>
    %add3A = arith.addf %get3A_6, %get3A_11 : vector<8x128xf32>
    %mul3A = arith.constant 0.693147182 : f32
    %mul3A_12 = vector.broadcast %mul3A : f32 to vector<8x128xf32>
    %mul3A_13 = arith.mulf %mul3A_12, %add3A : vector<8x128xf32>
    %add3A_14 = arith.addf %get3A_1, %mul3A_13 : vector<8x128xf32>
    %swap3A = arith.constant 0 : index
    %swap3A_15 = arith.constant 0 : index
    %swap3A_16 = vector.load %arg3[%swap3A, %swap3A_15] : memref<8x128xf32, #tpu.memory_space<vmem>>, vector<8x128xf32>
    tpu.vector_store %arg3[%swap3A, %swap3A_15], %add3A_14 {strides = array<i32>} : memref<8x128xf32, #tpu.memory_space<vmem>>, vector<8x128xf32>,
    return
  }
  func.func @transform_0(%arg0: i32) -> (i32, i32) {
    %c0_i32 = arith.constant 0 : i32
    %c0_i32_0 = arith.constant 0 : i32
    return %arg0, %c0_i32 : i32, i32
  }
  func.func @transform_1(%arg0: i32) -> (i32, i32, i32) {
    %c0_i32 = arith.constant 0 : i32
    %c0_i32_0 = arith.constant 0 : i32
    %c0_i32_1 = arith.constant 0 : i32
    return %c0_i32, %arg0, %c0_i32_0 : i32, i32, i32
  }
  func.func @transform_2(%arg0: i32) -> (i32, i32) {
    %c0_i32 = arith.constant 0 : i32
    %c0_i32_0 = arith.constant 0 : i32
    return %arg0, %c0_i32 : i32, i32
  }
}

</mosaic_0001>

<sc_bundles>
// kernel: kernel.5.cloned.1.call-start
scs
__scs_entry_jumppad:
0x0: {  	(pc) =	sbr.rel $0x88, $3  }
0x1: {  	(tag) =	ssettag $0x0;
	lr =	simm.s32 $0x1  }
0x2: {  	[smem:$0x3F9B] =	sst lr;
	_ =	strace $0xD0000000  }
0x3: {  	_ = 	snop  }
0x4: {  	_ = 	snop  }
0x5: {  	_ = 	snop  }
0x6: {  	_ = 	snop  }
0x7: {  	_ = 	snop  }
__scs_overlays_trampoline_lowered:
0x8: {  	[smem:$0x3FAA] =	sst s0  }
0x9: {  	[smem:$0x3FAB] =	sst s1  }
0xa: {  	[smem:$0x3FAC] =	sst s2  }
0xb: {  	[smem:$0x3FAD] =	sst s3  }
0xc: {  	[smem:$0x3FAE] =	sst s4  }
0xd: {  	[smem:$0x3FAF] =	sst s5  }
0xe: {  	[smem:$0x3FB0] =	sst s6  }
0xf: {  	[smem:$0x3FB1] =	sst s7  }
0x10: {  	[smem:$0x3FB2] =	sst s8  }
0x11: {  	[smem:$0x3FB3] =	sst s9;
	s0 =	simm.s32 @!p0 $0x0  }
0x12: {  	s1 =	sld [smem:$0x3F99];
	s0 =	simm.s32 @p0 $0x1  }
0x13: {  	[smem:$0x3FB4] =	sst s0;
	s0 =	simm.s32 @!p1 $0x0  }
0x14: {  	s2 =	sld [smem:$0x3F98];
	s0 =	simm.s32 @p1 $0x1  }
0x15: {  	[smem:$0x3FB5] =	sst s0;
	s0 =	simm.s32 @!p2 $0x0  }
0x16: {  	s3 =	sld [smem:$0x3FDB];
	s0 =	simm.s32 @p2 $0x1  }
0x17: {  	s4 =	simm.s32 $0x1BF5;
	[smem:$0x3FB7] =	sst s0  }
0x18: {  	s0 =	sld [smem:$0x3F9A];
	_ =	swait.ge [sflag:s4], $0x0  }
0x19: {  	s7 =	sld [smem:$0x3F9B]  }
0x1a: {  	s8 =	sadd.s32 $0xFFFFE003, lr  }
0x1b: {  	s9 =	sadd.s32 $0xFFFFFEF7, lr;
	s5 =	simm.s32 $0xFFFFFFFF;
	p2 =	slt.u32 s8, $0xFFFFF086  }
0x1c: {  	p1 =	slt.u32 s9, $0xF7A;
	s5 =	simm.s32 @!p2 $0x0  }
0x1d: {  	s5 =	simm.s32 @p1 $0x1;
	p0 =	seq.s32 s7, s2  }
0x1e: {  	s7 =	smul.u32 @!p0 $0xF7A, s2;
	p2 =	seq.s32 @!p0 s5, $0x0  }
0x1f: {  	s9 =	smul.u32 $0xF7A, s1;
	s8 =	simm.s32 @!p0 $0x1BF5;
	p2 =	por !p2, p0  }
0x20: {  	[sflag:s8] =	ssyncset.s32 @!p0 $0xFFFFF086;
	s6 =	sadd.s32 @!p0 s3, s7;
	s7 =	simm.s32 @!p0 $0x108  }
0x21: {  	s3 =	sadd.s32 s3, s9;
	s6 =	sadd.s32 @!p0 $0x88, s6;
	s7 =	simm.s32 @p2 $0x1082  }
0x22: {  	[simem:s7], [sflag:s8] =	dma.local @!p0 [hbm:s6], $0xF7A  }
0x23: {  	s9 =	sor.u32 $0xD0000000, s2;
	s6 =	simm.s32 $0x108;
	_ =	swait.ge @!p0 [sflag:s8], $0x0  }
0x24: {  	s3 =	sadd.s32 $0x88, s3;
	s6 =	simm.s32 @!p1 $0x1082;
	[sflag:s4] =	ssyncset.s32 $0xFFFFF086  }
0x25: {  	[simem:s6], [sflag:s4] =	dma.local [hbm:s3], $0xF7A  }
0x26: {  	[smem:$0x3F9B] =	sst s1;
	(tag) =	ssettag s2;
	_ =	strace s9  }
0x27: {  	s1 =	sld [smem:$0x3FAB]  }
0x28: {  	s2 =	sld [smem:$0x3FAC]  }
0x29: {  	s4 =	sld [smem:$0x3FAE]  }
0x2a: {  	p0 =	seq.s32 s5, $0x0;
	s5 =	sld [smem:$0x3FAF]  }
0x2b: {  	s6 =	sld [smem:$0x3FB0]  }
0x2c: {  	s7 =	sld [smem:$0x3FB1]  }
0x2d: {  	s3 =	simm.s32 $0x108;
	s8 =	sld [smem:$0x3FB2]  }
0x2e: {  	s3 =	simm.s32 @!p0 $0x1082;
	s9 =	sld [smem:$0x3FB3]  }
0x2f: {  	lr =	sadd.s32 s0, s3;
	s0 =	sld [smem:$0x3FAA]  }
0x30: {  	s3 =	sld [smem:$0x3FAD]  }
0x31: {  	[smem:$0x3FB6] =	sst s10  }
0x32: {  	s10 =	sld [smem:$0x3FB4];
	_ =	sdelay $0x3  }
0x33: {  	p0 =	seq.s32 s10, $0x1;
	s10 =	sld [smem:$0x3FB6];
	_ =	sdelay $0x3  }
0x34: {  	[smem:$0x3FB6] =	sst s10  }
0x35: {  	s10 =	sld [smem:$0x3FB5];
	_ =	sdelay $0x3  }
0x36: {  	p1 =	seq.s32 s10, $0x1;
	s10 =	sld [smem:$0x3FB6];
	_ =	sdelay $0x3  }
0x37: {  	[smem:$0x3FB6] =	sst s10  }
0x38: {  	s10 =	sld [smem:$0x3FB7]  }
0x39: {  	_ = 	snop;
	(pc) =	sbr.ind lr, $3  }
0x3a: {  	_ = 	snop  }
0x3b: {  	_ = 	snop  }
0x3c: {  	p2 =	seq.s32 s10, $0x1;
	s10 =	sld [smem:$0x3FB6]  }
0x3d: {  	_ =	shalt  }
0x3e: {  	_ =	shalt  }
0x3f: {  	_ =	shalt  }
0x40: {  	_ =	shalt  }
0x41: {  	_ =	shalt  }
0x42: {  	_ =	shalt  }
0x43: {  	_ =	shalt  }
0x44: {  	_ =	shalt  }
0x45: {  	_ =	shalt  }
0x46: {  	_ =	shalt  }
0x47: {  	_ =	shalt  }
0x48: {  	_ =	shalt  }
0x49: {  	_ =	shalt  }
0x4a: {  	_ =	shalt  }
0x4b: {  	_ =	shalt  }
0x4c: {  	_ =	shalt  }
0x4d: {  	_ =	shalt  }
0x4e: {  	_ =	shalt  }
0x4f: {  	_ =	shalt  }
0x50: {  	_ =	shalt  }
0x51: {  	_ =	shalt  }
0x52: {  	_ =	shalt  }
0x53: {  	_ =	shalt  }
0x54: {  	_ =	shalt  }
0x55: {  	_ =	shalt  }
0x56: {  	_ =	shalt  }
0x57: {  	_ =	shalt  }
0x58: {  	_ =	shalt  }
0x59: {  	_ =	shalt  }
0x5a: {  	_ =	shalt  }
0x5b: {  	_ =	shalt  }
0x5c: {  	_ =	shalt  }
0x5d: {  	_ =	shalt  }
0x5e: {  	_ =	shalt  }
0x5f: {  	_ =	shalt  }
0x60: {  	_ =	shalt  }
0x61: {  	_ =	shalt  }
0x62: {  	_ =	shalt  }
0x63: {  	_ =	shalt  }
0x64: {  	_ =	shalt  }
0x65: {  	_ =	shalt  }
0x66: {  	_ =	shalt  }
0x67: {  	_ =	shalt  }
0x68: {  	_ =	shalt  }
0x69: {  	_ =	shalt  }
0x6a: {  	_ =	shalt  }
0x6b: {  	_ =	shalt  }
0x6c: {  	_ =	shalt  }
0x6d: {  	_ =	shalt  }
0x6e: {  	_ =	shalt  }
0x6f: {  	_ =	shalt  }
0x70: {  	_ =	shalt  }
0x71: {  	_ =	shalt  }
0x72: {  	_ =	shalt  }
0x73: {  	_ =	shalt  }
0x74: {  	_ =	shalt  }
0x75: {  	_ =	shalt  }
0x76: {  	_ =	shalt  }
0x77: {  	_ =	shalt  }
0x78: {  	_ =	shalt  }
0x79: {  	_ =	shalt  }
0x7a: {  	_ =	shalt  }
0x7b: {  	_ =	shalt  }
0x7c: {  	_ =	shalt  }
0x7d: {  	_ =	shalt  }
0x7e: {  	_ =	shalt  }
0x7f: {  	_ =	shalt  }
0x80: {  	_ =	shalt  }
0x81: {  	_ =	shalt  }
0x82: {  	_ =	shalt  }
0x83: {  	_ =	shalt  }
0x84: {  	_ =	shalt  }
0x85: {  	_ =	shalt  }
0x86: {  	_ =	shalt  }
0x87: {  	_ =	shalt  }
.Lfunc_end0:
.L_simem_size_0:
called_computation_lowered:
.L_overlay_start_0:
0x88: {  	s2 =	sld [smem:$0x3FD9]  }
0x89: {  	s3 =	sld [smem:$0x3FFE];
	_ =	sdelay $0x1  }
0x8a: {  	s1 =	srdreg.scid  }
0x8b: {  	s0 =	sand.u32 $0x1, s1  }
0x8c: {  	s16 =	sshll.u32 s0, $0xA;
	s2 =	sadd.s32 s3, s2  }
0x8d: {  	s2 =	sadd.s32 s2, s16  }
0x8e: {  	[smem:$0x3FC2] =	sst s2  }
0x8f: {  	_ = 	snop  }
0x90: {  	(tm) =	ssettm $0x1  }
0x91: {  	s17 =	sld [smem:$0x3FFB];
	_ =	sdelay $0x3  }
0x92: {  	_ =	strace s17  }
0x93: {  	s2 =	sld [smem:$0x3FFC];
	_ =	sdelay $0x3  }
0x94: {  	_ =	strace s2  }
0x95: {  	s2 =	sld [smem:$0x3FFD];
	_ =	sdelay $0x3  }
0x96: {  	_ =	strace s2  }
0x97: {  	_ =	strace $0x8FFFFFFF  }
0x98: {  	s18 =	sld [smem:$0x3FDB];
	_ =	sdelay $0x1  }
0x99: {  	s19 =	simm.s32 $_scs_section_size  }
0x9a: {  	s4 =	simm.s32 $_size__tile_overlayer_lowered;
	s5 =	simm.s32 $_tile_overlayer_lowered  }
0x9b: {  	s22 =	simm.s32 $0x1BFF;
	s21 =	sshll.u32 s5, $0x1;
	s2 =	sadd.s32 s19, s18  }
0x9c: {  	s6 =	simm.s32 $0x0;
	s20 =	sshll.u32 s4, $0x1;
	s4 =	sadd.s32 s21, s2  }
0x9d: {  	[timem:s6], [sflag:s22] =	dma.local [hbm:s4], s20  }
0x9e: {  	_ =	swait.ge [sflag:s22], s20  }
0x9f: {  	s3 =	ssub.s32 $0x0, s20;
	[sflag:s22] =	ssyncset.done $0x0  }
0xa0: {  	[sflag:s22] =	ssyncadd.s32 s3;
	_ =	sdelay $0x1  }
0xa1: {  	s23 =	simm.s32 $0x1B8B  }
0xa2: {  	_ =	swait.ge [sflag:s23], $0x1  }
0xa3: {  	[sflag:s23] =	ssyncset.done $0x0  }
0xa4: {  	s25 =	simm.s32 $0x1B8E;
	s24 =	sld [smem:$0x3FFE];
	[sflag:s23] =	ssyncadd.s32 $0xFFFFFFFF  }
0xa5: {  	s26 =	simm.s32 $execute0_lowered;
	[smem:$0x3FD2] =	sst s25  }
0xa6: {  	s4 =	sshll.u32 s26, $0x1;
	_ =	strace $0x80000046;
	[dreg:$0x1] =	wrdreg $0xFFFFFFFF  }
0xa7: {  	s28 =	simm.s32 $_size_execute0_lowered;
	s2 =	sadd.s32 s2, s4;
	[dreg:$0x0] =	wrdreg $0x0  }
0xa8: {  	s4 =	sshll.u32 s28, $0x1;
	[dreg:$0x2] =	wrdreg s2  }
0xa9: {  	[dreg:$0x3] =	wrdreg s4  }
0xaa: {  	[dreg:$0x4] =	wrdreg $0xC0  }
0xab: {  	_ =	task [dreg:s6], $0x5FFFF  }
0xac: {  	[dreg:$0x1] =	wrdreg $0xFFFFFFFF  }
0xad: {  	[dreg:$0x0] =	wrdreg $0x60  }
0xae: {  	[dreg:$0x2] =	wrdreg s24  }
0xaf: {  	[dreg:$0x3] =	wrdreg $0x18800  }
0xb0: {  	[dreg:$0x4] =	wrdreg $0x31000  }
0xb1: {  	[dreg:$0x5] =	wrdreg $0x9  }
0xb2: {  	_ =	task.clear_ibuf [dreg:s6], $0x6FFFF;
	_ =	strace $0x90000046  }
0xb3: {  	s29 =	simm.s32 $0x9;
	_ =	strace $0x80000048  }
0xb4: {  	_ =	swait.ge [sflag:s29], $0x1  }
0xb5: {  	[sflag:s29] =	ssyncadd.s32 $0xFFFFFFFF  }
0xb6: {  	_ =	strace $0x90000048  }
0xb7: {  	_ =	sfence  }
0xb8: {  	s30 =	sld [smem:$0x0];
	_ =	sdelay $0x2  }
0xb9: {  	s31 =	sshll.u32 s1, $0xD;
	s1 =	sshrl.u32 s1, $0x2  }
0xba: {  	s3 =	sand.u32 $0x4000, s31;
	s1 =	sadd.s32 s1, s30  }
0xbb: {  	s0 =	sor.u32 s3, s0;
	s1 =	sshll.u32 s1, $0x11  }
0xbc: {  	s0 =	sor.u32 s1, s0  }
0xbd: {  	s0 =	sadd.s32 $0x8F2B, s0  }
0xbe: {  	[sflag:s0] =	ssyncadd.remote.s32 $0x1  }
0xbf: {  	_ =	sfence.sel $0xFFFF  }
0xc0: {  	[dreg:$0x0] =	wrdreg $0xFFFFFFFF;
	(pc) =	sbr.abs _section_cstart, $3  }
0xc1: {  	[dreg:$0x1] =	wrdreg $0xFFFFFFFF  }
0xc2: {  	_ =	task.clear_ibuf [dreg:s6], $0x2FFFF;
	_ =	strace $0x9FFFFFFF  }
0xc3: {  	(tm) =	ssettm $0x7FFFFFFF  }
tec
execute0_lowered:
.L_overlay_start_1:
0x0: {  	(tag) =	ssettag $0x1  }
0x1: {  	s0 =	rddreg [dreg:$0x0]  }
0x2: {  	s2 =	rddreg [dreg:$0x1]  }
0x3: {  	s10 =	stileid.u32;
	s3 =	rddreg [dreg:$0x2];
	s4 =	simm.s32 $0x0  }
0x4: {  	s1 =	srdreg.scid;
	s14 =	simm.s32 $0xC80;
	[smem:$0x7FF] =	sst s4  }
0x5: {  	s16 =	simm.s32 $0xD00;
	_ =	strace $0x80000047;
	[dreg:$0x6] =	wrdreg s14  }
0x6: {  	s17 =	simm.s32 $0x100;
	s18 =	simm.s32 $0xD80;
	[dreg:$0x7] =	wrdreg s16  }
0x7: {  	s19 =	simm.s32 $0x180;
	s20 =	simm.s32 $0xE00;
	[dreg:$0x8] =	wrdreg s17  }
0x8: {  	s21 =	simm.s32 $0x200;
	s23 =	simm.s32 $0xE80;
	[dreg:$0x9] =	wrdreg s18  }
0x9: {  	s24 =	simm.s32 $0x280;
	s26 =	simm.s32 $0xF00;
	[dreg:$0xa] =	wrdreg s19  }
0xa: {  	s12 =	simm.s32 $0x300;
	s28 =	simm.s32 $0x900;
	[dreg:$0xb] =	wrdreg s20  }
0xb: {  	s29 =	simm.s32 $0x1580;
	s30 =	simm.s32 $0x980;
	[dreg:$0xc] =	wrdreg s21  }
0xc: {  	s31 =	simm.s32 $0x1600;
	s5 =	smul.u32 $0x6600, s10;
	[dreg:$0xd] =	wrdreg s23  }
0xd: {  	s1 =	sand.u32 $0x1, s1;
	s7 =	smul.u32 $0x1880, s10;
	[dreg:$0xe] =	wrdreg s24  }
0xe: {  	s15 =	smul.u32 $0x3100, s10;
	s13 =	sshll.u32 s10, $0x6;
	[dreg:$0xf] =	wrdreg s26  }
0xf: {  	s6 =	smul.u32 $0x3300, s1;
	[dreg:$0x10] =	wrdreg s12;
	s14 =	simm.s32 $0xF80  }
0x10: {  	s9 =	sshll.u32 s1, $0x7;
	s16 =	simm.s32 $0x1000;
	[dreg:$0x11] =	wrdreg s14  }
0x11: {  	s1 =	ssub.s32 $0x2, s1;
	s17 =	simm.s32 $0x400;
	[dreg:$0x13] =	wrdreg s16  }
0x12: {  	s18 =	simm.s32 $0x1080;
	s19 =	simm.s32 $0x480;
	[dreg:$0x14] =	wrdreg s17  }
0x13: {  	s21 =	simm.s32 $0x1100;
	s23 =	simm.s32 $0x1180;
	[dreg:$0x15] =	wrdreg s18  }
0x14: {  	s24 =	simm.s32 $0x580;
	s26 =	simm.s32 $0x600;
	[dreg:$0x16] =	wrdreg s19  }
0x15: {  	s5 =	sadd.s32 s5, s0;
	s8 =	sshrl.u32 s7, $0x3;
	[dreg:$0x17] =	wrdreg s21  }
0x16: {  	s22 =	sshrl.u32 s1, $0x1;
	s25 =	sadd.s32 s7, s2;
	[dreg:$0x19] =	wrdreg s23  }
0x17: {  	s7 =	sadd.s32 s7, s3;
	s14 =	simm.s32 $0x80;
	[dreg:$0x1a] =	wrdreg s24  }
0x18: {  	[dreg:$0x1c] =	wrdreg s26;
	s16 =	simm.s32 $0x1280;
	s17 =	simm.s32 $0x680  }
0x19: {  	s18 =	simm.s32 $0x1300;
	s19 =	simm.s32 $0x700;
	s21 =	simm.s32 $0x780  }
0x1a: {  	s23 =	simm.s32 $0x800;
	s24 =	simm.s32 $0x1480;
	s26 =	simm.s32 $0x1500  }
0x1b: {  	s5 =	sadd.s32 s6, s5;
	s1 =	ssub.s32 s1, s22;
	s20 =	sshrl.u32 s25, $0x3  }
0x1c: {  	s22 =	simm.s32 $0x500;
	s12 =	sshrl.u32 s7, $0x3;
	[smem:$0x7FC] =	sst s20  }
0x1d: {  	s25 =	simm.s32 $0x1200;
	s7 =	simm.s32 $0x1700;
	[dreg:$0x18] =	wrdreg s22  }
0x1e: {  	s6 =	sadd.s32 $0x1000, s5;
	s5 =	sadd.s32 $0x67000, s5;
	[dreg:$0x1b] =	wrdreg s25  }
0x1f: {  	s1 =	smax.u32 s1, $0x1;
	s20 =	simm.s32 $0x1380;
	[smem:$0x7FD] =	sst s12  }
0x20: {  	s22 =	simm.s32 $0x1400;
	s25 =	simm.s32 $0x880;
	[dreg:$0x4] =	wrdreg s6  }
0x21: {  	s6 =	sadd.s32 s8, s0;
	[dreg:$0x5] =	wrdreg s5;
	s8 =	sor.u32 s9, s15  }
0x22: {  	s9 =	sor.u32 $0x1C01, s13;
	s15 =	simm.s32 $0x380;
	[smem:$0x7FB] =	sst s1  }
0x23: {  	s13 =	simm.s32 $0xC00;
	s1 =	simm.s32 $0xA00;
	s5 =	simm.s32 $0xA80  }
0x24: {  	s8 =	sshrl.u32 s8, $0x3;
	s11 =	sadd.s32 $0xCD000, s6;
	[dreg:$0x1e] =	wrdreg s9  }
0x25: {  	[dreg:$0x12] =	wrdreg s15;
	s6 =	sadd.s32 $0xD0200, s6;
	s15 =	simm.s32 $0x1800  }
0x26: {  	s9 =	simm.s32 $0x0;
	s0 =	sadd.s32 s8, s0;
	[dreg:$0x1d] =	wrdreg s11  }
0x27: {  	[dreg:$0x1f] =	wrdreg s6;
	s11 =	simm.s32 $0x1;
	s0 =	sadd.s32 $0xD3400, s0  }
0x28: {  	s8 =	simm.s32 $0xB00;
	[smem:$0x7FA] =	sst s0;
	s0 =	simm.s32 $0x1680  }
.LBB2_1:
0x29: {  	[smem:$0x7F9] =	sst s9  }
0x2a: {  	s10 =	sld [smem:$0x7FC]  }
0x2b: {  	s6 =	rddreg [dreg:$0x1d]  }
0x2c: {  	s9 =	rddreg [dreg:$0x1e]  }
0x2d: {  	[spmem:s10], [sflag:s9] =	dma.local [hbm:s6], $0x310  }
0x2e: {  	_ =	swait.ge [sflag:s11], $0x310  }
0x2f: {  	[sflag:s11] =	ssyncset.done $0x0  }
0x30: {  	s10 =	rddreg [dreg:$0x1f];
	[sflag:s11] =	ssyncadd.s32 $0xFFFFFCF0  }
0x31: {  	[spmem:s12], [sflag:s9] =	dma.local [hbm:s10], $0x310  }
0x32: {  	_ =	swait.ge [sflag:s11], $0x310  }
0x33: {  	[sflag:s11] =	ssyncset.done $0x0  }
0x34: {  	[sflag:s11] =	ssyncadd.s32 $0xFFFFFCF0  }
0x35: {  	[bflag:$0x0] =	sbarrier.arrive $0xFFFF  }
0x36: {  	s12 =	rddreg [dreg:$0x4]  }
0x37: {  	s6 =	sadd.s32 $0x0, s12  }
0x38: {  	[tilespmem:s4], [sflag:$0x1] =	stream.linear.gather [hbm4b:s6+s4], $0xB80, $0x38;
	[tilespmem:$0x4980] =	vst v63  }
0x39: {  	_ =	swait.ge [sflag:s11], $0xB80  }
0x3a: {  	s9 =	rddreg [dreg:$0x5];
	[sflag:s11] =	ssyncset.done $0x0  }
0x3b: {  	[sflag:s11] =	ssyncadd.s32 $0xFFFFF480;
	s6 =	sadd.s32 $0x0, s9  }
0x3c: {  	[tilespmem:s13], [sflag:$0x1] =	stream.linear.gather [hbm4b:s6+s4], $0xB80, $0x38;
	[tilespmem:$0x4980] =	vst v63  }
0x3d: {  	_ =	swait.ge [sflag:s11], $0xB80  }
0x3e: {  	[sflag:s11] =	ssyncset.done $0x0  }
0x3f: {  	[sflag:s11] =	ssyncadd.s32 $0xFFFFF480  }
0x40: {  	[tilespmem:s15], [sflag:$0x1] =	stream.indirect.gather [spmem:s2], $0x1, s13, s14, $0xb8;
	[tilespmem:$0x4980] =	vst v63  }
0x41: {  	_ =	swait.ge [sflag:s11], $0x80  }
0x42: {  	[sflag:s11] =	ssyncset.done $0x0  }
0x43: {  	[sflag:s11] =	ssyncadd.s32 $0xFFFFFF80  }
0x44: {  	[spmem:s3] =	stream.indirect.scatter.add.f32 [tilespmem:s15], [sflag:$0x1], $0x1, s4, s14, $0xb8;
	[tilespmem:$0x4980] =	vst v63  }
0x45: {  	_ =	swait.ge [sflag:s11], $0x80  }
0x46: {  	[sflag:s11] =	ssyncset.done $0x0  }
0x47: {  	s10 =	rddreg [dreg:$0x6];
	[sflag:s11] =	ssyncadd.s32 $0xFFFFFF80  }
0x48: {  	[tilespmem:s15], [sflag:$0x1] =	stream.indirect.gather [spmem:s2], $0x1, s10, s14, $0xb8;
	[tilespmem:$0x4980] =	vst v63  }
0x49: {  	_ =	swait.ge [sflag:s11], $0x80  }
0x4a: {  	[sflag:s11] =	ssyncset.done $0x0  }
0x4b: {  	[sflag:s11] =	ssyncadd.s32 $0xFFFFFF80  }
0x4c: {  	[spmem:s3] =	stream.indirect.scatter.add.f32 [tilespmem:s15], [sflag:$0x1], $0x1, s14, s14, $0xb8;
	[tilespmem:$0x4980] =	vst v63  }
0x4d: {  	_ =	swait.ge [sflag:s11], $0x80  }
0x4e: {  	[sflag:s11] =	ssyncset.done $0x0  }
0x4f: {  	s12 =	rddreg [dreg:$0x7];
	[sflag:s11] =	ssyncadd.s32 $0xFFFFFF80  }
0x50: {  	[tilespmem:s15], [sflag:$0x1] =	stream.indirect.gather [spmem:s2], $0x1, s12, s14, $0xb8;
	[tilespmem:$0x4980] =	vst v63  }
0x51: {  	_ =	swait.ge [sflag:s11], $0x80  }
0x52: {  	[sflag:s11] =	ssyncset.done $0x0  }
0x53: {  	s9 =	rddreg [dreg:$0x8];
	[sflag:s11] =	ssyncadd.s32 $0xFFFFFF80  }
0x54: {  	[spmem:s3] =	stream.indirect.scatter.add.f32 [tilespmem:s15], [sflag:$0x1], $0x1, s9, s14, $0xb8;
	[tilespmem:$0x4980] =	vst v63  }
0x55: {  	_ =	swait.ge [sflag:s11], $0x80  }
0x56: {  	[sflag:s11] =	ssyncset.done $0x0  }
0x57: {  	s10 =	rddreg [dreg:$0x9];
	[sflag:s11] =	ssyncadd.s32 $0xFFFFFF80  }
0x58: {  	[tilespmem:s15], [sflag:$0x1] =	stream.indirect.gather [spmem:s2], $0x1, s10, s14, $0xb8;
	[tilespmem:$0x4980] =	vst v63  }
0x59: {  	_ =	swait.ge [sflag:s11], $0x80  }
0x5a: {  	[sflag:s11] =	ssyncset.done $0x0  }
0x5b: {  	s12 =	rddreg [dreg:$0xa];
	[sflag:s11] =	ssyncadd.s32 $0xFFFFFF80  }
0x5c: {  	[spmem:s3] =	stream.indirect.scatter.add.f32 [tilespmem:s15], [sflag:$0x1], $0x1, s12, s14, $0xb8;
	[tilespmem:$0x4980] =	vst v63  }
0x5d: {  	_ =	swait.ge [sflag:s11], $0x80  }
0x5e: {  	[sflag:s11] =	ssyncset.done $0x0  }
0x5f: {  	s9 =	rddreg [dreg:$0xb];
	[sflag:s11] =	ssyncadd.s32 $0xFFFFFF80  }
0x60: {  	[tilespmem:s15], [sflag:$0x1] =	stream.indirect.gather [spmem:s2], $0x1, s9, s14, $0xb8;
	[tilespmem:$0x4980] =	vst v63  }
0x61: {  	_ =	swait.ge [sflag:s11], $0x80  }
0x62: {  	[sflag:s11] =	ssyncset.done $0x0  }
0x63: {  	s10 =	rddreg [dreg:$0xc];
	[sflag:s11] =	ssyncadd.s32 $0xFFFFFF80  }
0x64: {  	[spmem:s3] =	stream.indirect.scatter.add.f32 [tilespmem:s15], [sflag:$0x1], $0x1, s10, s14, $0xb8;
	[tilespmem:$0x4980] =	vst v63  }
0x65: {  	_ =	swait.ge [sflag:s11], $0x80  }
0x66: {  	[sflag:s11] =	ssyncset.done $0x0  }
0x67: {  	s12 =	rddreg [dreg:$0xd];
	[sflag:s11] =	ssyncadd.s32 $0xFFFFFF80  }
0x68: {  	[tilespmem:s15], [sflag:$0x1] =	stream.indirect.gather [spmem:s2], $0x1, s12, s14, $0xb8;
	[tilespmem:$0x4980] =	vst v63  }
0x69: {  	_ =	swait.ge [sflag:s11], $0x80  }
0x6a: {  	[sflag:s11] =	ssyncset.done $0x0  }
0x6b: {  	s9 =	rddreg [dreg:$0xe];
	[sflag:s11] =	ssyncadd.s32 $0xFFFFFF80  }
0x6c: {  	[spmem:s3] =	stream.indirect.scatter.add.f32 [tilespmem:s15], [sflag:$0x1], $0x1, s9, s14, $0xb8;
	[tilespmem:$0x4980] =	vst v63  }
0x6d: {  	_ =	swait.ge [sflag:s11], $0x80  }
0x6e: {  	[sflag:s11] =	ssyncset.done $0x0  }
0x6f: {  	s10 =	rddreg [dreg:$0xf];
	[sflag:s11] =	ssyncadd.s32 $0xFFFFFF80  }
0x70: {  	[tilespmem:s15], [sflag:$0x1] =	stream.indirect.gather [spmem:s2], $0x1, s10, s14, $0xb8;
	[tilespmem:$0x4980] =	vst v63  }
0x71: {  	_ =	swait.ge [sflag:s11], $0x80  }
0x72: {  	[sflag:s11] =	ssyncset.done $0x0  }
0x73: {  	s12 =	rddreg [dreg:$0x10];
	[sflag:s11] =	ssyncadd.s32 $0xFFFFFF80  }
0x74: {  	[spmem:s3] =	stream.indirect.scatter.add.f32 [tilespmem:s15], [sflag:$0x1], $0x1, s12, s14, $0xb8;
	[tilespmem:$0x4980] =	vst v63  }
0x75: {  	_ =	swait.ge [sflag:s11], $0x80  }
0x76: {  	[sflag:s11] =	ssyncset.done $0x0  }
0x77: {  	s9 =	rddreg [dreg:$0x11];
	[sflag:s11] =	ssyncadd.s32 $0xFFFFFF80  }
0x78: {  	[tilespmem:s15], [sflag:$0x1] =	stream.indirect.gather [spmem:s2], $0x1, s9, s14, $0xb8;
	[tilespmem:$0x4980] =	vst v63  }
0x79: {  	_ =	swait.ge [sflag:s11], $0x80  }
0x7a: {  	[sflag:s11] =	ssyncset.done $0x0  }
0x7b: {  	s10 =	rddreg [dreg:$0x12];
	[sflag:s11] =	ssyncadd.s32 $0xFFFFFF80  }
0x7c: {  	[spmem:s3] =	stream.indirect.scatter.add.f32 [tilespmem:s15], [sflag:$0x1], $0x1, s10, s14, $0xb8;
	[tilespmem:$0x4980] =	vst v63  }
0x7d: {  	_ =	swait.ge [sflag:s11], $0x80  }
0x7e: {  	[sflag:s11] =	ssyncset.done $0x0  }
0x7f: {  	s12 =	rddreg [dreg:$0x13];
	[sflag:s11] =	ssyncadd.s32 $0xFFFFFF80  }
0x80: {  	[tilespmem:s15], [sflag:$0x1] =	stream.indirect.gather [spmem:s2], $0x1, s12, s14, $0xb8;
	[tilespmem:$0x4980] =	vst v63  }
0x81: {  	_ =	swait.ge [sflag:s11], $0x80  }
0x82: {  	[sflag:s11] =	ssyncset.done $0x0  }
0x83: {  	s9 =	rddreg [dreg:$0x14];
	[sflag:s11] =	ssyncadd.s32 $0xFFFFFF80  }
0x84: {  	[spmem:s3] =	stream.indirect.scatter.add.f32 [tilespmem:s15], [sflag:$0x1], $0x1, s9, s14, $0xb8;
	[tilespmem:$0x4980] =	vst v63  }
0x85: {  	_ =	swait.ge [sflag:s11], $0x80  }
0x86: {  	[sflag:s11] =	ssyncset.done $0x0  }
0x87: {  	s10 =	rddreg [dreg:$0x15];
	[sflag:s11] =	ssyncadd.s32 $0xFFFFFF80  }
0x88: {  	[tilespmem:s15], [sflag:$0x1] =	stream.indirect.gather [spmem:s2], $0x1, s10, s14, $0xb8;
	[tilespmem:$0x4980] =	vst v63  }
0x89: {  	_ =	swait.ge [sflag:s11], $0x80  }
0x8a: {  	[sflag:s11] =	ssyncset.done $0x0  }
0x8b: {  	s12 =	rddreg [dreg:$0x16];
	[sflag:s11] =	ssyncadd.s32 $0xFFFFFF80  }
0x8c: {  	[spmem:s3] =	stream.indirect.scatter.add.f32 [tilespmem:s15], [sflag:$0x1], $0x1, s12, s14, $0xb8;
	[tilespmem:$0x4980] =	vst v63  }
0x8d: {  	_ =	swait.ge [sflag:s11], $0x80  }
0x8e: {  	[sflag:s11] =	ssyncset.done $0x0  }
0x8f: {  	s9 =	rddreg [dreg:$0x17];
	[sflag:s11] =	ssyncadd.s32 $0xFFFFFF80  }
0x90: {  	[tilespmem:s15], [sflag:$0x1] =	stream.indirect.gather [spmem:s2], $0x1, s9, s14, $0xb8;
	[tilespmem:$0x4980] =	vst v63  }
0x91: {  	_ =	swait.ge [sflag:s11], $0x80  }
0x92: {  	[sflag:s11] =	ssyncset.done $0x0  }
0x93: {  	s10 =	rddreg [dreg:$0x18];
	[sflag:s11] =	ssyncadd.s32 $0xFFFFFF80  }
0x94: {  	[spmem:s3] =	stream.indirect.scatter.add.f32 [tilespmem:s15], [sflag:$0x1], $0x1, s10, s14, $0xb8;
	[tilespmem:$0x4980] =	vst v63  }
0x95: {  	_ =	swait.ge [sflag:s11], $0x80  }
0x96: {  	[sflag:s11] =	ssyncset.done $0x0  }
0x97: {  	s12 =	rddreg [dreg:$0x19];
	[sflag:s11] =	ssyncadd.s32 $0xFFFFFF80  }
0x98: {  	[tilespmem:s15], [sflag:$0x1] =	stream.indirect.gather [spmem:s2], $0x1, s12, s14, $0xb8;
	[tilespmem:$0x4980] =	vst v63  }
0x99: {  	_ =	swait.ge [sflag:s11], $0x80  }
0x9a: {  	[sflag:s11] =	ssyncset.done $0x0  }
0x9b: {  	s9 =	rddreg [dreg:$0x1a];
	[sflag:s11] =	ssyncadd.s32 $0xFFFFFF80  }
0x9c: {  	[spmem:s3] =	stream.indirect.scatter.add.f32 [tilespmem:s15], [sflag:$0x1], $0x1, s9, s14, $0xb8;
	[tilespmem:$0x4980] =	vst v63  }
0x9d: {  	_ =	swait.ge [sflag:s11], $0x80  }
0x9e: {  	[sflag:s11] =	ssyncset.done $0x0  }
0x9f: {  	s10 =	rddreg [dreg:$0x1b];
	[sflag:s11] =	ssyncadd.s32 $0xFFFFFF80  }
0xa0: {  	[tilespmem:s15], [sflag:$0x1] =	stream.indirect.gather [spmem:s2], $0x1, s10, s14, $0xb8;
	[tilespmem:$0x4980] =	vst v63  }
0xa1: {  	_ =	swait.ge [sflag:s11], $0x80  }
0xa2: {  	[sflag:s11] =	ssyncset.done $0x0  }
0xa3: {  	s12 =	rddreg [dreg:$0x1c];
	[sflag:s11] =	ssyncadd.s32 $0xFFFFFF80  }
0xa4: {  	[spmem:s3] =	stream.indirect.scatter.add.f32 [tilespmem:s15], [sflag:$0x1], $0x1, s12, s14, $0xb8;
	[tilespmem:$0x4980] =	vst v63  }
0xa5: {  	_ =	swait.ge [sflag:s11], $0x80  }
0xa6: {  	[sflag:s11] =	ssyncset.done $0x0  }
0xa7: {  	[sflag:s11] =	ssyncadd.s32 $0xFFFFFF80  }
0xa8: {  	[tilespmem:s15], [sflag:$0x1] =	stream.indirect.gather [spmem:s2], $0x1, s16, s14, $0xb8;
	[tilespmem:$0x4980] =	vst v63  }
0xa9: {  	_ =	swait.ge [sflag:s11], $0x80  }
0xaa: {  	[sflag:s11] =	ssyncset.done $0x0  }
0xab: {  	[sflag:s11] =	ssyncadd.s32 $0xFFFFFF80  }
0xac: {  	[spmem:s3] =	stream.indirect.scatter.add.f32 [tilespmem:s15], [sflag:$0x1], $0x1, s17, s14, $0xb8;
	[tilespmem:$0x4980] =	vst v63  }
0xad: {  	_ =	swait.ge [sflag:s11], $0x80  }
0xae: {  	[sflag:s11] =	ssyncset.done $0x0  }
0xaf: {  	[sflag:s11] =	ssyncadd.s32 $0xFFFFFF80  }
0xb0: {  	[tilespmem:s15], [sflag:$0x1] =	stream.indirect.gather [spmem:s2], $0x1, s18, s14, $0xb8;
	[tilespmem:$0x4980] =	vst v63  }
0xb1: {  	_ =	swait.ge [sflag:s11], $0x80  }
0xb2: {  	[sflag:s11] =	ssyncset.done $0x0  }
0xb3: {  	[sflag:s11] =	ssyncadd.s32 $0xFFFFFF80  }
0xb4: {  	[spmem:s3] =	stream.indirect.scatter.add.f32 [tilespmem:s15], [sflag:$0x1], $0x1, s19, s14, $0xb8;
	[tilespmem:$0x4980] =	vst v63  }
0xb5: {  	_ =	swait.ge [sflag:s11], $0x80  }
0xb6: {  	[sflag:s11] =	ssyncset.done $0x0  }
0xb7: {  	[sflag:s11] =	ssyncadd.s32 $0xFFFFFF80  }
0xb8: {  	[tilespmem:s15], [sflag:$0x1] =	stream.indirect.gather [spmem:s2], $0x1, s20, s14, $0xb8;
	[tilespmem:$0x4980] =	vst v63  }
0xb9: {  	_ =	swait.ge [sflag:s11], $0x80  }
0xba: {  	[sflag:s11] =	ssyncset.done $0x0  }
0xbb: {  	[sflag:s11] =	ssyncadd.s32 $0xFFFFFF80  }
0xbc: {  	[spmem:s3] =	stream.indirect.scatter.add.f32 [tilespmem:s15], [sflag:$0x1], $0x1, s21, s14, $0xb8;
	[tilespmem:$0x4980] =	vst v63  }
0xbd: {  	_ =	swait.ge [sflag:s11], $0x80  }
0xbe: {  	[sflag:s11] =	ssyncset.done $0x0  }
0xbf: {  	[sflag:s11] =	ssyncadd.s32 $0xFFFFFF80  }
0xc0: {  	[tilespmem:s15], [sflag:$0x1] =	stream.indirect.gather [spmem:s2], $0x1, s22, s14, $0xb8;
	[tilespmem:$0x4980] =	vst v63  }
0xc1: {  	_ =	swait.ge [sflag:s11], $0x80  }
0xc2: {  	[sflag:s11] =	ssyncset.done $0x0  }
0xc3: {  	[sflag:s11] =	ssyncadd.s32 $0xFFFFFF80  }
0xc4: {  	[spmem:s3] =	stream.indirect.scatter.add.f32 [tilespmem:s15], [sflag:$0x1], $0x1, s23, s14, $0xb8;
	[tilespmem:$0x4980] =	vst v63  }
0xc5: {  	_ =	swait.ge [sflag:s11], $0x80  }
0xc6: {  	[sflag:s11] =	ssyncset.done $0x0  }
0xc7: {  	[sflag:s11] =	ssyncadd.s32 $0xFFFFFF80  }
0xc8: {  	[tilespmem:s15], [sflag:$0x1] =	stream.indirect.gather [spmem:s2], $0x1, s24, s14, $0xb8;
	[tilespmem:$0x4980] =	vst v63  }
0xc9: {  	_ =	swait.ge [sflag:s11], $0x80  }
0xca: {  	[sflag:s11] =	ssyncset.done $0x0  }
0xcb: {  	[sflag:s11] =	ssyncadd.s32 $0xFFFFFF80  }
0xcc: {  	[spmem:s3] =	stream.indirect.scatter.add.f32 [tilespmem:s15], [sflag:$0x1], $0x1, s25, s14, $0xb8;
	[tilespmem:$0x4980] =	vst v63  }
0xcd: {  	_ =	swait.ge [sflag:s11], $0x80  }
0xce: {  	[sflag:s11] =	ssyncset.done $0x0  }
0xcf: {  	[sflag:s11] =	ssyncadd.s32 $0xFFFFFF80  }
0xd0: {  	[tilespmem:s15], [sflag:$0x1] =	stream.indirect.gather [spmem:s2], $0x1, s26, s14, $0xb8;
	[tilespmem:$0x4980] =	vst v63  }
0xd1: {  	_ =	swait.ge [sflag:s11], $0x80  }
0xd2: {  	[sflag:s11] =	ssyncset.done $0x0  }
0xd3: {  	[sflag:s11] =	ssyncadd.s32 $0xFFFFFF80  }
0xd4: {  	[spmem:s3] =	stream.indirect.scatter.add.f32 [tilespmem:s15], [sflag:$0x1], $0x1, s28, s14, $0xb8;
	[tilespmem:$0x4980] =	vst v63  }
0xd5: {  	_ =	swait.ge [sflag:s11], $0x80  }
0xd6: {  	[sflag:s11] =	ssyncset.done $0x0  }
0xd7: {  	[sflag:s11] =	ssyncadd.s32 $0xFFFFFF80  }
0xd8: {  	[tilespmem:s15], [sflag:$0x1] =	stream.indirect.gather [spmem:s2], $0x1, s29, s14, $0xb8;
	[tilespmem:$0x4980] =	vst v63  }
0xd9: {  	_ =	swait.ge [sflag:s11], $0x80  }
0xda: {  	[sflag:s11] =	ssyncset.done $0x0  }
0xdb: {  	[sflag:s11] =	ssyncadd.s32 $0xFFFFFF80  }
0xdc: {  	[spmem:s3] =	stream.indirect.scatter.add.f32 [tilespmem:s15], [sflag:$0x1], $0x1, s30, s14, $0xb8;
	[tilespmem:$0x4980] =	vst v63  }
0xdd: {  	_ =	swait.ge [sflag:s11], $0x80  }
0xde: {  	[sflag:s11] =	ssyncset.done $0x0  }
0xdf: {  	[sflag:s11] =	ssyncadd.s32 $0xFFFFFF80  }
0xe0: {  	[tilespmem:s15], [sflag:$0x1] =	stream.indirect.gather [spmem:s2], $0x1, s31, s14, $0xb8;
	[tilespmem:$0x4980] =	vst v63  }
0xe1: {  	_ =	swait.ge [sflag:s11], $0x80  }
0xe2: {  	[sflag:s11] =	ssyncset.done $0x0  }
0xe3: {  	[sflag:s11] =	ssyncadd.s32 $0xFFFFFF80  }
0xe4: {  	[spmem:s3] =	stream.indirect.scatter.add.f32 [tilespmem:s15], [sflag:$0x1], $0x1, s1, s14, $0xb8;
	[tilespmem:$0x4980] =	vst v63  }
0xe5: {  	_ =	swait.ge [sflag:s11], $0x80  }
0xe6: {  	[sflag:s11] =	ssyncset.done $0x0  }
0xe7: {  	[sflag:s11] =	ssyncadd.s32 $0xFFFFFF80  }
0xe8: {  	[tilespmem:s15], [sflag:$0x1] =	stream.indirect.gather [spmem:s2], $0x1, s0, s14, $0xb8;
	[tilespmem:$0x4980] =	vst v63  }
0xe9: {  	_ =	swait.ge [sflag:s11], $0x80  }
0xea: {  	[sflag:s11] =	ssyncset.done $0x0  }
0xeb: {  	[sflag:s11] =	ssyncadd.s32 $0xFFFFFF80  }
0xec: {  	[spmem:s3] =	stream.indirect.scatter.add.f32 [tilespmem:s15], [sflag:$0x1], $0x1, s5, s14, $0xb8;
	[tilespmem:$0x4980] =	vst v63  }
0xed: {  	_ =	swait.ge [sflag:s11], $0x80  }
0xee: {  	[sflag:s11] =	ssyncset.done $0x0  }
0xef: {  	[sflag:s11] =	ssyncadd.s32 $0xFFFFFF80  }
0xf0: {  	[tilespmem:s15], [sflag:$0x1] =	stream.indirect.gather [spmem:s2], $0x1, s7, s14, $0xb8;
	[tilespmem:$0x4980] =	vst v63  }
0xf1: {  	_ =	swait.ge [sflag:s11], $0x80  }
0xf2: {  	[sflag:s11] =	ssyncset.done $0x0  }
0xf3: {  	[sflag:s11] =	ssyncadd.s32 $0xFFFFFF80  }
0xf4: {  	[spmem:s3] =	stream.indirect.scatter.add.f32 [tilespmem:s15], [sflag:$0x1], $0x1, s8, s14, $0xb8;
	[tilespmem:$0x4980] =	vst v63  }
0xf5: {  	s10 =	simm.s32 $0x180;
	_ =	swait.ge [sflag:s11], $0x80  }
0xf6: {  	s12 =	simm.s32 $0x300;
	s6 =	rddreg [dreg:$0x4];
	[sflag:s11] =	ssyncset.done $0x0  }
.LBB2_2:
0xf7: {  	[sflag:s11] =	ssyncadd.s32 $0xFFFFFF80;
	s6 =	sadd.s32 s10, s6  }
0xf8: {  	[tilespmem:s4], [sflag:$0x1] =	stream.linear.gather [hbm4b:s6+s4], $0xB80, $0x38;
	[tilespmem:$0x4980] =	vst v63  }
0xf9: {  	_ =	swait.ge [sflag:s11], $0xB80  }
0xfa: {  	s6 =	rddreg [dreg:$0x5];
	[sflag:s11] =	ssyncset.done $0x0  }
0xfb: {  	[sflag:s11] =	ssyncadd.s32 $0xFFFFF480;
	s6 =	sadd.s32 s10, s6  }
0xfc: {  	[tilespmem:s13], [sflag:$0x1] =	stream.linear.gather [hbm4b:s6+s4], $0xB80, $0x38;
	[tilespmem:$0x4980] =	vst v63  }
0xfd: {  	_ =	swait.ge [sflag:s11], $0xB80  }
0xfe: {  	[sflag:s11] =	ssyncset.done $0x0  }
0xff: {  	[sflag:s11] =	ssyncadd.s32 $0xFFFFF480  }
0x100: {  	[tilespmem:s15], [sflag:$0x1] =	stream.indirect.gather [spmem:s2], $0x1, s13, s14, $0xb8;
	[tilespmem:$0x4980] =	vst v63  }
0x101: {  	_ =	swait.ge [sflag:s11], $0x80  }
0x102: {  	[sflag:s11] =	ssyncset.done $0x0  }
0x103: {  	[sflag:s11] =	ssyncadd.s32 $0xFFFFFF80  }
0x104: {  	[spmem:s3] =	stream.indirect.scatter.add.f32 [tilespmem:s15], [sflag:$0x1], $0x1, s4, s14, $0xb8;
	[tilespmem:$0x4980] =	vst v63  }
0x105: {  	_ =	swait.ge [sflag:s11], $0x80  }
0x106: {  	s9 =	smov.u32 s12;
	[sflag:s11] =	ssyncset.done $0x0  }
0x107: {  	s10 =	smov.u32 s9;
	s9 =	rddreg [dreg:$0x6];
	[sflag:s11] =	ssyncadd.s32 $0xFFFFFF80  }
0x108: {  	[tilespmem:s15], [sflag:$0x1] =	stream.indirect.gather [spmem:s2], $0x1, s9, s14, $0xb8;
	[tilespmem:$0x4980] =	vst v63  }
0x109: {  	_ =	swait.ge [sflag:s11], $0x80  }
0x10a: {  	[sflag:s11] =	ssyncset.done $0x0  }
0x10b: {  	[sflag:s11] =	ssyncadd.s32 $0xFFFFFF80  }
0x10c: {  	[spmem:s3] =	stream.indirect.scatter.add.f32 [tilespmem:s15], [sflag:$0x1], $0x1, s14, s14, $0xb8;
	[tilespmem:$0x4980] =	vst v63  }
0x10d: {  	_ =	swait.ge [sflag:s11], $0x80  }
0x10e: {  	[sflag:s11] =	ssyncset.done $0x0  }
0x10f: {  	s9 =	rddreg [dreg:$0x7];
	[sflag:s11] =	ssyncadd.s32 $0xFFFFFF80  }
0x110: {  	[tilespmem:s15], [sflag:$0x1] =	stream.indirect.gather [spmem:s2], $0x1, s9, s14, $0xb8;
	[tilespmem:$0x4980] =	vst v63  }
0x111: {  	_ =	swait.ge [sflag:s11], $0x80  }
0x112: {  	[sflag:s11] =	ssyncset.done $0x0  }
0x113: {  	s9 =	rddreg [dreg:$0x8];
	[sflag:s11] =	ssyncadd.s32 $0xFFFFFF80  }
0x114: {  	[spmem:s3] =	stream.indirect.scatter.add.f32 [tilespmem:s15], [sflag:$0x1], $0x1, s9, s14, $0xb8;
	[tilespmem:$0x4980] =	vst v63  }
0x115: {  	_ =	swait.ge [sflag:s11], $0x80  }
0x116: {  	[sflag:s11] =	ssyncset.done $0x0  }
0x117: {  	s9 =	rddreg [dreg:$0x9];
	[sflag:s11] =	ssyncadd.s32 $0xFFFFFF80  }
0x118: {  	[tilespmem:s15], [sflag:$0x1] =	stream.indirect.gather [spmem:s2], $0x1, s9, s14, $0xb8;
	[tilespmem:$0x4980] =	vst v63  }
0x119: {  	_ =	swait.ge [sflag:s11], $0x80  }
0x11a: {  	[sflag:s11] =	ssyncset.done $0x0  }
0x11b: {  	s9 =	rddreg [dreg:$0xa];
	[sflag:s11] =	ssyncadd.s32 $0xFFFFFF80  }
0x11c: {  	[spmem:s3] =	stream.indirect.scatter.add.f32 [tilespmem:s15], [sflag:$0x1], $0x1, s9, s14, $0xb8;
	[tilespmem:$0x4980] =	vst v63  }
0x11d: {  	_ =	swait.ge [sflag:s11], $0x80  }
0x11e: {  	[sflag:s11] =	ssyncset.done $0x0  }
0x11f: {  	s9 =	rddreg [dreg:$0xb];
	[sflag:s11] =	ssyncadd.s32 $0xFFFFFF80  }
0x120: {  	[tilespmem:s15], [sflag:$0x1] =	stream.indirect.gather [spmem:s2], $0x1, s9, s14, $0xb8;
	[tilespmem:$0x4980] =	vst v63  }
0x121: {  	_ =	swait.ge [sflag:s11], $0x80  }
0x122: {  	[sflag:s11] =	ssyncset.done $0x0  }
0x123: {  	s9 =	rddreg [dreg:$0xc];
	[sflag:s11] =	ssyncadd.s32 $0xFFFFFF80  }
0x124: {  	[spmem:s3] =	stream.indirect.scatter.add.f32 [tilespmem:s15], [sflag:$0x1], $0x1, s9, s14, $0xb8;
	[tilespmem:$0x4980] =	vst v63  }
0x125: {  	_ =	swait.ge [sflag:s11], $0x80  }
0x126: {  	[sflag:s11] =	ssyncset.done $0x0  }
0x127: {  	s9 =	rddreg [dreg:$0xd];
	[sflag:s11] =	ssyncadd.s32 $0xFFFFFF80  }
0x128: {  	[tilespmem:s15], [sflag:$0x1] =	stream.indirect.gather [spmem:s2], $0x1, s9, s14, $0xb8;
	[tilespmem:$0x4980] =	vst v63  }
0x129: {  	_ =	swait.ge [sflag:s11], $0x80  }
0x12a: {  	[sflag:s11] =	ssyncset.done $0x0  }
0x12b: {  	s9 =	rddreg [dreg:$0xe];
	[sflag:s11] =	ssyncadd.s32 $0xFFFFFF80  }
0x12c: {  	[spmem:s3] =	stream.indirect.scatter.add.f32 [tilespmem:s15], [sflag:$0x1], $0x1, s9, s14, $0xb8;
	[tilespmem:$0x4980] =	vst v63  }
0x12d: {  	_ =	swait.ge [sflag:s11], $0x80  }
0x12e: {  	[sflag:s11] =	ssyncset.done $0x0  }
0x12f: {  	s9 =	rddreg [dreg:$0xf];
	[sflag:s11] =	ssyncadd.s32 $0xFFFFFF80  }
0x130: {  	[tilespmem:s15], [sflag:$0x1] =	stream.indirect.gather [spmem:s2], $0x1, s9, s14, $0xb8;
	[tilespmem:$0x4980] =	vst v63  }
0x131: {  	_ =	swait.ge [sflag:s11], $0x80  }
0x132: {  	[sflag:s11] =	ssyncset.done $0x0  }
0x133: {  	s9 =	rddreg [dreg:$0x10];
	[sflag:s11] =	ssyncadd.s32 $0xFFFFFF80  }
0x134: {  	[spmem:s3] =	stream.indirect.scatter.add.f32 [tilespmem:s15], [sflag:$0x1], $0x1, s9, s14, $0xb8;
	[tilespmem:$0x4980] =	vst v63  }
0x135: {  	_ =	swait.ge [sflag:s11], $0x80  }
0x136: {  	[sflag:s11] =	ssyncset.done $0x0  }
0x137: {  	s9 =	rddreg [dreg:$0x11];
	[sflag:s11] =	ssyncadd.s32 $0xFFFFFF80  }
0x138: {  	[tilespmem:s15], [sflag:$0x1] =	stream.indirect.gather [spmem:s2], $0x1, s9, s14, $0xb8;
	[tilespmem:$0x4980] =	vst v63  }
0x139: {  	_ =	swait.ge [sflag:s11], $0x80  }
0x13a: {  	[sflag:s11] =	ssyncset.done $0x0  }
0x13b: {  	s9 =	rddreg [dreg:$0x12];
	[sflag:s11] =	ssyncadd.s32 $0xFFFFFF80  }
0x13c: {  	[spmem:s3] =	stream.indirect.scatter.add.f32 [tilespmem:s15], [sflag:$0x1], $0x1, s9, s14, $0xb8;
	[tilespmem:$0x4980] =	vst v63  }
0x13d: {  	_ =	swait.ge [sflag:s11], $0x80  }
0x13e: {  	[sflag:s11] =	ssyncset.done $0x0  }
0x13f: {  	s9 =	rddreg [dreg:$0x13];
	[sflag:s11] =	ssyncadd.s32 $0xFFFFFF80  }
0x140: {  	[tilespmem:s15], [sflag:$0x1] =	stream.indirect.gather [spmem:s2], $0x1, s9, s14, $0xb8;
	[tilespmem:$0x4980] =	vst v63  }
0x141: {  	_ =	swait.ge [sflag:s11], $0x80  }
0x142: {  	[sflag:s11] =	ssyncset.done $0x0  }
0x143: {  	s9 =	rddreg [dreg:$0x14];
	[sflag:s11] =	ssyncadd.s32 $0xFFFFFF80  }
0x144: {  	[spmem:s3] =	stream.indirect.scatter.add.f32 [tilespmem:s15], [sflag:$0x1], $0x1, s9, s14, $0xb8;
	[tilespmem:$0x4980] =	vst v63  }
0x145: {  	_ =	swait.ge [sflag:s11], $0x80  }
0x146: {  	[sflag:s11] =	ssyncset.done $0x0  }
0x147: {  	s9 =	rddreg [dreg:$0x15];
	[sflag:s11] =	ssyncadd.s32 $0xFFFFFF80  }
0x148: {  	[tilespmem:s15], [sflag:$0x1] =	stream.indirect.gather [spmem:s2], $0x1, s9, s14, $0xb8;
	[tilespmem:$0x4980] =	vst v63  }
0x149: {  	_ =	swait.ge [sflag:s11], $0x80  }
0x14a: {  	[sflag:s11] =	ssyncset.done $0x0  }
0x14b: {  	s9 =	rddreg [dreg:$0x16];
	[sflag:s11] =	ssyncadd.s32 $0xFFFFFF80  }
0x14c: {  	[spmem:s3] =	stream.indirect.scatter.add.f32 [tilespmem:s15], [sflag:$0x1], $0x1, s9, s14, $0xb8;
	[tilespmem:$0x4980] =	vst v63  }
0x14d: {  	_ =	swait.ge [sflag:s11], $0x80  }
0x14e: {  	[sflag:s11] =	ssyncset.done $0x0  }
0x14f: {  	s9 =	rddreg [dreg:$0x17];
	[sflag:s11] =	ssyncadd.s32 $0xFFFFFF80  }
0x150: {  	[tilespmem:s15], [sflag:$0x1] =	stream.indirect.gather [spmem:s2], $0x1, s9, s14, $0xb8;
	[tilespmem:$0x4980] =	vst v63  }
0x151: {  	_ =	swait.ge [sflag:s11], $0x80  }
0x152: {  	[sflag:s11] =	ssyncset.done $0x0  }
0x153: {  	s9 =	rddreg [dreg:$0x18];
	[sflag:s11] =	ssyncadd.s32 $0xFFFFFF80  }
0x154: {  	[spmem:s3] =	stream.indirect.scatter.add.f32 [tilespmem:s15], [sflag:$0x1], $0x1, s9, s14, $0xb8;
	[tilespmem:$0x4980] =	vst v63  }
0x155: {  	_ =	swait.ge [sflag:s11], $0x80  }
0x156: {  	[sflag:s11] =	ssyncset.done $0x0  }
0x157: {  	s9 =	rddreg [dreg:$0x19];
	[sflag:s11] =	ssyncadd.s32 $0xFFFFFF80  }
0x158: {  	[tilespmem:s15], [sflag:$0x1] =	stream.indirect.gather [spmem:s2], $0x1, s9, s14, $0xb8;
	[tilespmem:$0x4980] =	vst v63  }
0x159: {  	_ =	swait.ge [sflag:s11], $0x80  }
0x15a: {  	[sflag:s11] =	ssyncset.done $0x0  }
0x15b: {  	s9 =	rddreg [dreg:$0x1a];
	[sflag:s11] =	ssyncadd.s32 $0xFFFFFF80  }
0x15c: {  	[spmem:s3] =	stream.indirect.scatter.add.f32 [tilespmem:s15], [sflag:$0x1], $0x1, s9, s14, $0xb8;
	[tilespmem:$0x4980] =	vst v63  }
0x15d: {  	_ =	swait.ge [sflag:s11], $0x80  }
0x15e: {  	[sflag:s11] =	ssyncset.done $0x0  }
0x15f: {  	s9 =	rddreg [dreg:$0x1b];
	[sflag:s11] =	ssyncadd.s32 $0xFFFFFF80  }
0x160: {  	[tilespmem:s15], [sflag:$0x1] =	stream.indirect.gather [spmem:s2], $0x1, s9, s14, $0xb8;
	[tilespmem:$0x4980] =	vst v63  }
0x161: {  	_ =	swait.ge [sflag:s11], $0x80  }
0x162: {  	[sflag:s11] =	ssyncset.done $0x0  }
0x163: {  	s9 =	rddreg [dreg:$0x1c];
	[sflag:s11] =	ssyncadd.s32 $0xFFFFFF80  }
0x164: {  	[spmem:s3] =	stream.indirect.scatter.add.f32 [tilespmem:s15], [sflag:$0x1], $0x1, s9, s14, $0xb8;
	[tilespmem:$0x4980] =	vst v63  }
0x165: {  	_ =	swait.ge [sflag:s11], $0x80  }
0x166: {  	[sflag:s11] =	ssyncset.done $0x0  }
0x167: {  	[sflag:s11] =	ssyncadd.s32 $0xFFFFFF80  }
0x168: {  	[tilespmem:s15], [sflag:$0x1] =	stream.indirect.gather [spmem:s2], $0x1, s16, s14, $0xb8;
	[tilespmem:$0x4980] =	vst v63  }
0x169: {  	_ =	swait.ge [sflag:s11], $0x80  }
0x16a: {  	[sflag:s11] =	ssyncset.done $0x0  }
0x16b: {  	[sflag:s11] =	ssyncadd.s32 $0xFFFFFF80  }
0x16c: {  	[spmem:s3] =	stream.indirect.scatter.add.f32 [tilespmem:s15], [sflag:$0x1], $0x1, s17, s14, $0xb8;
	[tilespmem:$0x4980] =	vst v63  }
0x16d: {  	_ =	swait.ge [sflag:s11], $0x80  }
0x16e: {  	[sflag:s11] =	ssyncset.done $0x0  }
0x16f: {  	[sflag:s11] =	ssyncadd.s32 $0xFFFFFF80  }
0x170: {  	[tilespmem:s15], [sflag:$0x1] =	stream.indirect.gather [spmem:s2], $0x1, s18, s14, $0xb8;
	[tilespmem:$0x4980] =	vst v63  }
0x171: {  	_ =	swait.ge [sflag:s11], $0x80  }
0x172: {  	[sflag:s11] =	ssyncset.done $0x0  }
0x173: {  	[sflag:s11] =	ssyncadd.s32 $0xFFFFFF80  }
0x174: {  	[spmem:s3] =	stream.indirect.scatter.add.f32 [tilespmem:s15], [sflag:$0x1], $0x1, s19, s14, $0xb8;
	[tilespmem:$0x4980] =	vst v63  }
0x175: {  	_ =	swait.ge [sflag:s11], $0x80  }
0x176: {  	[sflag:s11] =	ssyncset.done $0x0  }
0x177: {  	[sflag:s11] =	ssyncadd.s32 $0xFFFFFF80  }
0x178: {  	[tilespmem:s15], [sflag:$0x1] =	stream.indirect.gather [spmem:s2], $0x1, s20, s14, $0xb8;
	[tilespmem:$0x4980] =	vst v63  }
0x179: {  	_ =	swait.ge [sflag:s11], $0x80  }
0x17a: {  	[sflag:s11] =	ssyncset.done $0x0  }
0x17b: {  	[sflag:s11] =	ssyncadd.s32 $0xFFFFFF80  }
0x17c: {  	[spmem:s3] =	stream.indirect.scatter.add.f32 [tilespmem:s15], [sflag:$0x1], $0x1, s21, s14, $0xb8;
	[tilespmem:$0x4980] =	vst v63  }
0x17d: {  	_ =	swait.ge [sflag:s11], $0x80  }
0x17e: {  	[sflag:s11] =	ssyncset.done $0x0  }
0x17f: {  	[sflag:s11] =	ssyncadd.s32 $0xFFFFFF80  }
0x180: {  	[tilespmem:s15], [sflag:$0x1] =	stream.indirect.gather [spmem:s2], $0x1, s22, s14, $0xb8;
	[tilespmem:$0x4980] =	vst v63  }
0x181: {  	_ =	swait.ge [sflag:s11], $0x80  }
0x182: {  	[sflag:s11] =	ssyncset.done $0x0  }
0x183: {  	[sflag:s11] =	ssyncadd.s32 $0xFFFFFF80  }
0x184: {  	[spmem:s3] =	stream.indirect.scatter.add.f32 [tilespmem:s15], [sflag:$0x1], $0x1, s23, s14, $0xb8;
	[tilespmem:$0x4980] =	vst v63  }
0x185: {  	_ =	swait.ge [sflag:s11], $0x80  }
0x186: {  	[sflag:s11] =	ssyncset.done $0x0  }
0x187: {  	[sflag:s11] =	ssyncadd.s32 $0xFFFFFF80  }
0x188: {  	[tilespmem:s15], [sflag:$0x1] =	stream.indirect.gather [spmem:s2], $0x1, s24, s14, $0xb8;
	[tilespmem:$0x4980] =	vst v63  }
0x189: {  	_ =	swait.ge [sflag:s11], $0x80  }
0x18a: {  	[sflag:s11] =	ssyncset.done $0x0  }
0x18b: {  	[sflag:s11] =	ssyncadd.s32 $0xFFFFFF80  }
0x18c: {  	[spmem:s3] =	stream.indirect.scatter.add.f32 [tilespmem:s15], [sflag:$0x1], $0x1, s25, s14, $0xb8;
	[tilespmem:$0x4980] =	vst v63  }
0x18d: {  	_ =	swait.ge [sflag:s11], $0x80  }
0x18e: {  	[sflag:s11] =	ssyncset.done $0x0  }
0x18f: {  	[sflag:s11] =	ssyncadd.s32 $0xFFFFFF80  }
0x190: {  	[tilespmem:s15], [sflag:$0x1] =	stream.indirect.gather [spmem:s2], $0x1, s26, s14, $0xb8;
	[tilespmem:$0x4980] =	vst v63  }
0x191: {  	_ =	swait.ge [sflag:s11], $0x80  }
0x192: {  	[sflag:s11] =	ssyncset.done $0x0  }
0x193: {  	[sflag:s11] =	ssyncadd.s32 $0xFFFFFF80  }
0x194: {  	[spmem:s3] =	stream.indirect.scatter.add.f32 [tilespmem:s15], [sflag:$0x1], $0x1, s28, s14, $0xb8;
	[tilespmem:$0x4980] =	vst v63  }
0x195: {  	_ =	swait.ge [sflag:s11], $0x80  }
0x196: {  	[sflag:s11] =	ssyncset.done $0x0  }
0x197: {  	[sflag:s11] =	ssyncadd.s32 $0xFFFFFF80  }
0x198: {  	[tilespmem:s15], [sflag:$0x1] =	stream.indirect.gather [spmem:s2], $0x1, s29, s14, $0xb8;
	[tilespmem:$0x4980] =	vst v63  }
0x199: {  	_ =	swait.ge [sflag:s11], $0x80  }
0x19a: {  	[sflag:s11] =	ssyncset.done $0x0  }
0x19b: {  	[sflag:s11] =	ssyncadd.s32 $0xFFFFFF80  }
0x19c: {  	[spmem:s3] =	stream.indirect.scatter.add.f32 [tilespmem:s15], [sflag:$0x1], $0x1, s30, s14, $0xb8;
	[tilespmem:$0x4980] =	vst v63  }
0x19d: {  	_ =	swait.ge [sflag:s11], $0x80  }
0x19e: {  	[sflag:s11] =	ssyncset.done $0x0  }
0x19f: {  	[sflag:s11] =	ssyncadd.s32 $0xFFFFFF80  }
0x1a0: {  	[tilespmem:s15], [sflag:$0x1] =	stream.indirect.gather [spmem:s2], $0x1, s31, s14, $0xb8;
	[tilespmem:$0x4980] =	vst v63  }
0x1a1: {  	_ =	swait.ge [sflag:s11], $0x80  }
0x1a2: {  	[sflag:s11] =	ssyncset.done $0x0  }
0x1a3: {  	[sflag:s11] =	ssyncadd.s32 $0xFFFFFF80  }
0x1a4: {  	[spmem:s3] =	stream.indirect.scatter.add.f32 [tilespmem:s15], [sflag:$0x1], $0x1, s1, s14, $0xb8;
	[tilespmem:$0x4980] =	vst v63  }
0x1a5: {  	_ =	swait.ge [sflag:s11], $0x80  }
0x1a6: {  	[sflag:s11] =	ssyncset.done $0x0  }
0x1a7: {  	[sflag:s11] =	ssyncadd.s32 $0xFFFFFF80  }
0x1a8: {  	[tilespmem:s15], [sflag:$0x1] =	stream.indirect.gather [spmem:s2], $0x1, s0, s14, $0xb8;
	[tilespmem:$0x4980] =	vst v63  }
0x1a9: {  	_ =	swait.ge [sflag:s11], $0x80  }
0x1aa: {  	[sflag:s11] =	ssyncset.done $0x0  }
0x1ab: {  	[sflag:s11] =	ssyncadd.s32 $0xFFFFFF80  }
0x1ac: {  	[spmem:s3] =	stream.indirect.scatter.add.f32 [tilespmem:s15], [sflag:$0x1], $0x1, s5, s14, $0xb8;
	[tilespmem:$0x4980] =	vst v63  }
0x1ad: {  	_ =	swait.ge [sflag:s11], $0x80  }
0x1ae: {  	[sflag:s11] =	ssyncset.done $0x0  }
0x1af: {  	[sflag:s11] =	ssyncadd.s32 $0xFFFFFF80  }
0x1b0: {  	[tilespmem:s15], [sflag:$0x1] =	stream.indirect.gather [spmem:s2], $0x1, s7, s14, $0xb8;
	[tilespmem:$0x4980] =	vst v63  }
0x1b1: {  	p0 =	sne.s32 s12, $0x3180;
	_ =	swait.ge [sflag:s11], $0x80  }
.Ltmp0:
0x1b2: {  	[sflag:s11] =	ssyncset.done $0x0;
	(pc) =	sbr.rel @p0 .LBB2_2-.Ltmp0, $4  }
0x1b3: {  	[sflag:s11] =	ssyncadd.s32 $0xFFFFFF80  }
0x1b4: {  	[spmem:s3] =	stream.indirect.scatter.add.f32 [tilespmem:s15], [sflag:$0x1], $0x1, s8, s14, $0xb8;
	[tilespmem:$0x4980] =	vst v63  }
0x1b5: {  	_ =	swait.ge [sflag:s11], $0x80  }
0x1b6: {  	s12 =	sadd.s32 $0x180, s12;
	s6 =	rddreg [dreg:$0x4];
	[sflag:s11] =	ssyncset.done $0x0  }
0x1b7: {  	[sflag:s11] =	ssyncadd.s32 $0xFFFFFF80;
	s6 =	sadd.s32 s10, s6  }
0x1b8: {  	[tilespmem:s4], [sflag:$0x1] =	stream.linear.gather [hbm4b:s6+s4], $0xB80, $0x38;
	[tilespmem:$0x4980] =	vst v63  }
0x1b9: {  	_ =	swait.ge [sflag:s11], $0xB80  }
0x1ba: {  	s9 =	rddreg [dreg:$0x5];
	[sflag:s11] =	ssyncset.done $0x0  }
0x1bb: {  	s6 =	sadd.s32 s10, s9;
	[sflag:s11] =	ssyncadd.s32 $0xFFFFF480  }
0x1bc: {  	[tilespmem:s13], [sflag:$0x1] =	stream.linear.gather [hbm4b:s6+s4], $0xB80, $0x38;
	[tilespmem:$0x4980] =	vst v63  }
0x1bd: {  	_ =	swait.ge [sflag:s11], $0xB80  }
0x1be: {  	[sflag:s11] =	ssyncset.done $0x0  }
0x1bf: {  	[sflag:s11] =	ssyncadd.s32 $0xFFFFF480  }
0x1c0: {  	[tilespmem:s15], [sflag:$0x1] =	stream.indirect.gather [spmem:s2], $0x1, s13, s14, $0xb8;
	[tilespmem:$0x4980] =	vst v63  }
0x1c1: {  	_ =	swait.ge [sflag:s11], $0x80  }
0x1c2: {  	[sflag:s11] =	ssyncset.done $0x0  }
0x1c3: {  	[sflag:s11] =	ssyncadd.s32 $0xFFFFFF80  }
0x1c4: {  	[spmem:s3] =	stream.indirect.scatter.add.f32 [tilespmem:s15], [sflag:$0x1], $0x1, s4, s14, $0xb8;
	[tilespmem:$0x4980] =	vst v63  }
0x1c5: {  	_ =	swait.ge [sflag:s11], $0x80  }
0x1c6: {  	[sflag:s11] =	ssyncset.done $0x0  }
0x1c7: {  	s10 =	rddreg [dreg:$0x6];
	[sflag:s11] =	ssyncadd.s32 $0xFFFFFF80  }
0x1c8: {  	[tilespmem:s15], [sflag:$0x1] =	stream.indirect.gather [spmem:s2], $0x1, s10, s14, $0xb8;
	[tilespmem:$0x4980] =	vst v63  }
0x1c9: {  	_ =	swait.ge [sflag:s11], $0x80  }
0x1ca: {  	[sflag:s11] =	ssyncset.done $0x0  }
0x1cb: {  	[sflag:s11] =	ssyncadd.s32 $0xFFFFFF80  }
0x1cc: {  	[spmem:s3] =	stream.indirect.scatter.add.f32 [tilespmem:s15], [sflag:$0x1], $0x1, s14, s14, $0xb8;
	[tilespmem:$0x4980] =	vst v63  }
0x1cd: {  	_ =	swait.ge [sflag:s11], $0x80  }
0x1ce: {  	[sflag:s11] =	ssyncset.done $0x0  }
0x1cf: {  	s12 =	rddreg [dreg:$0x7];
	[sflag:s11] =	ssyncadd.s32 $0xFFFFFF80  }
0x1d0: {  	[tilespmem:s15], [sflag:$0x1] =	stream.indirect.gather [spmem:s2], $0x1, s12, s14, $0xb8;
	[tilespmem:$0x4980] =	vst v63  }
0x1d1: {  	_ =	swait.ge [sflag:s11], $0x80  }
0x1d2: {  	[sflag:s11] =	ssyncset.done $0x0  }
0x1d3: {  	s9 =	rddreg [dreg:$0x8];
	[sflag:s11] =	ssyncadd.s32 $0xFFFFFF80  }
0x1d4: {  	[spmem:s3] =	stream.indirect.scatter.add.f32 [tilespmem:s15], [sflag:$0x1], $0x1, s9, s14, $0xb8;
	[tilespmem:$0x4980] =	vst v63  }
0x1d5: {  	_ =	swait.ge [sflag:s11], $0x80  }
0x1d6: {  	[sflag:s11] =	ssyncset.done $0x0  }
0x1d7: {  	s10 =	rddreg [dreg:$0x9];
	[sflag:s11] =	ssyncadd.s32 $0xFFFFFF80  }
0x1d8: {  	[tilespmem:s15], [sflag:$0x1] =	stream.indirect.gather [spmem:s2], $0x1, s10, s14, $0xb8;
	[tilespmem:$0x4980] =	vst v63  }
0x1d9: {  	_ =	swait.ge [sflag:s11], $0x80  }
0x1da: {  	[sflag:s11] =	ssyncset.done $0x0  }
0x1db: {  	s12 =	rddreg [dreg:$0xa];
	[sflag:s11] =	ssyncadd.s32 $0xFFFFFF80  }
0x1dc: {  	[spmem:s3] =	stream.indirect.scatter.add.f32 [tilespmem:s15], [sflag:$0x1], $0x1, s12, s14, $0xb8;
	[tilespmem:$0x4980] =	vst v63  }
0x1dd: {  	_ =	swait.ge [sflag:s11], $0x80  }
0x1de: {  	[sflag:s11] =	ssyncset.done $0x0  }
0x1df: {  	s9 =	rddreg [dreg:$0xb];
	[sflag:s11] =	ssyncadd.s32 $0xFFFFFF80  }
0x1e0: {  	[tilespmem:s15], [sflag:$0x1] =	stream.indirect.gather [spmem:s2], $0x1, s9, s14, $0xb8;
	[tilespmem:$0x4980] =	vst v63  }
0x1e1: {  	_ =	swait.ge [sflag:s11], $0x80  }
0x1e2: {  	[sflag:s11] =	ssyncset.done $0x0  }
0x1e3: {  	s10 =	rddreg [dreg:$0xc];
	[sflag:s11] =	ssyncadd.s32 $0xFFFFFF80  }
0x1e4: {  	[spmem:s3] =	stream.indirect.scatter.add.f32 [tilespmem:s15], [sflag:$0x1], $0x1, s10, s14, $0xb8;
	[tilespmem:$0x4980] =	vst v63  }
0x1e5: {  	_ =	swait.ge [sflag:s11], $0x80  }
0x1e6: {  	[sflag:s11] =	ssyncset.done $0x0  }
0x1e7: {  	s12 =	rddreg [dreg:$0xd];
	[sflag:s11] =	ssyncadd.s32 $0xFFFFFF80  }
0x1e8: {  	[tilespmem:s15], [sflag:$0x1] =	stream.indirect.gather [spmem:s2], $0x1, s12, s14, $0xb8;
	[tilespmem:$0x4980] =	vst v63  }
0x1e9: {  	_ =	swait.ge [sflag:s11], $0x80  }
0x1ea: {  	[sflag:s11] =	ssyncset.done $0x0  }
0x1eb: {  	s9 =	rddreg [dreg:$0xe];
	[sflag:s11] =	ssyncadd.s32 $0xFFFFFF80  }
0x1ec: {  	[spmem:s3] =	stream.indirect.scatter.add.f32 [tilespmem:s15], [sflag:$0x1], $0x1, s9, s14, $0xb8;
	[tilespmem:$0x4980] =	vst v63  }
0x1ed: {  	_ =	swait.ge [sflag:s11], $0x80  }
0x1ee: {  	[sflag:s11] =	ssyncset.done $0x0  }
0x1ef: {  	s10 =	rddreg [dreg:$0xf];
	[sflag:s11] =	ssyncadd.s32 $0xFFFFFF80  }
0x1f0: {  	[tilespmem:s15], [sflag:$0x1] =	stream.indirect.gather [spmem:s2], $0x1, s10, s14, $0xb8;
	[tilespmem:$0x4980] =	vst v63  }
0x1f1: {  	_ =	swait.ge [sflag:s11], $0x80  }
0x1f2: {  	[sflag:s11] =	ssyncset.done $0x0  }
0x1f3: {  	s12 =	rddreg [dreg:$0x10];
	[sflag:s11] =	ssyncadd.s32 $0xFFFFFF80  }
0x1f4: {  	[spmem:s3] =	stream.indirect.scatter.add.f32 [tilespmem:s15], [sflag:$0x1], $0x1, s12, s14, $0xb8;
	[tilespmem:$0x4980] =	vst v63  }
0x1f5: {  	_ =	swait.ge [sflag:s11], $0x80  }
0x1f6: {  	[sflag:s11] =	ssyncset.done $0x0  }
0x1f7: {  	s9 =	rddreg [dreg:$0x11];
	[sflag:s11] =	ssyncadd.s32 $0xFFFFFF80  }
0x1f8: {  	[tilespmem:s15], [sflag:$0x1] =	stream.indirect.gather [spmem:s2], $0x1, s9, s14, $0xb8;
	[tilespmem:$0x4980] =	vst v63  }
0x1f9: {  	_ =	swait.ge [sflag:s11], $0x80  }
0x1fa: {  	[sflag:s11] =	ssyncset.done $0x0  }
0x1fb: {  	s10 =	rddreg [dreg:$0x12];
	[sflag:s11] =	ssyncadd.s32 $0xFFFFFF80  }
0x1fc: {  	[spmem:s3] =	stream.indirect.scatter.add.f32 [tilespmem:s15], [sflag:$0x1], $0x1, s10, s14, $0xb8;
	[tilespmem:$0x4980] =	vst v63  }
0x1fd: {  	_ =	swait.ge [sflag:s11], $0x80  }
0x1fe: {  	[sflag:s11] =	ssyncset.done $0x0  }
0x1ff: {  	s12 =	rddreg [dreg:$0x13];
	[sflag:s11] =	ssyncadd.s32 $0xFFFFFF80  }
0x200: {  	[tilespmem:s15], [sflag:$0x1] =	stream.indirect.gather [spmem:s2], $0x1, s12, s14, $0xb8;
	[tilespmem:$0x4980] =	vst v63  }
0x201: {  	_ =	swait.ge [sflag:s11], $0x80  }
0x202: {  	[sflag:s11] =	ssyncset.done $0x0  }
0x203: {  	s9 =	rddreg [dreg:$0x14];
	[sflag:s11] =	ssyncadd.s32 $0xFFFFFF80  }
0x204: {  	[spmem:s3] =	stream.indirect.scatter.add.f32 [tilespmem:s15], [sflag:$0x1], $0x1, s9, s14, $0xb8;
	[tilespmem:$0x4980] =	vst v63  }
0x205: {  	_ =	swait.ge [sflag:s11], $0x80  }
0x206: {  	[sflag:s11] =	ssyncset.done $0x0  }
0x207: {  	s10 =	rddreg [dreg:$0x15];
	[sflag:s11] =	ssyncadd.s32 $0xFFFFFF80  }
0x208: {  	[tilespmem:s15], [sflag:$0x1] =	stream.indirect.gather [spmem:s2], $0x1, s10, s14, $0xb8;
	[tilespmem:$0x4980] =	vst v63  }
0x209: {  	_ =	swait.ge [sflag:s11], $0x80  }
0x20a: {  	[sflag:s11] =	ssyncset.done $0x0  }
0x20b: {  	s12 =	rddreg [dreg:$0x16];
	[sflag:s11] =	ssyncadd.s32 $0xFFFFFF80  }
0x20c: {  	[spmem:s3] =	stream.indirect.scatter.add.f32 [tilespmem:s15], [sflag:$0x1], $0x1, s12, s14, $0xb8;
	[tilespmem:$0x4980] =	vst v63  }
0x20d: {  	_ =	swait.ge [sflag:s11], $0x80  }
0x20e: {  	[sflag:s11] =	ssyncset.done $0x0  }
0x20f: {  	s9 =	rddreg [dreg:$0x17];
	[sflag:s11] =	ssyncadd.s32 $0xFFFFFF80  }
0x210: {  	[tilespmem:s15], [sflag:$0x1] =	stream.indirect.gather [spmem:s2], $0x1, s9, s14, $0xb8;
	[tilespmem:$0x4980] =	vst v63  }
0x211: {  	_ =	swait.ge [sflag:s11], $0x80  }
0x212: {  	[sflag:s11] =	ssyncset.done $0x0  }
0x213: {  	s10 =	rddreg [dreg:$0x18];
	[sflag:s11] =	ssyncadd.s32 $0xFFFFFF80  }
0x214: {  	[spmem:s3] =	stream.indirect.scatter.add.f32 [tilespmem:s15], [sflag:$0x1], $0x1, s10, s14, $0xb8;
	[tilespmem:$0x4980] =	vst v63  }
0x215: {  	_ =	swait.ge [sflag:s11], $0x80  }
0x216: {  	[sflag:s11] =	ssyncset.done $0x0  }
0x217: {  	s12 =	rddreg [dreg:$0x19];
	[sflag:s11] =	ssyncadd.s32 $0xFFFFFF80  }
0x218: {  	[tilespmem:s15], [sflag:$0x1] =	stream.indirect.gather [spmem:s2], $0x1, s12, s14, $0xb8;
	[tilespmem:$0x4980] =	vst v63  }
0x219: {  	_ =	swait.ge [sflag:s11], $0x80  }
0x21a: {  	[sflag:s11] =	ssyncset.done $0x0  }
0x21b: {  	s9 =	rddreg [dreg:$0x1a];
	[sflag:s11] =	ssyncadd.s32 $0xFFFFFF80  }
0x21c: {  	[spmem:s3] =	stream.indirect.scatter.add.f32 [tilespmem:s15], [sflag:$0x1], $0x1, s9, s14, $0xb8;
	[tilespmem:$0x4980] =	vst v63  }
0x21d: {  	_ =	swait.ge [sflag:s11], $0x80  }
0x21e: {  	[sflag:s11] =	ssyncset.done $0x0  }
0x21f: {  	s10 =	rddreg [dreg:$0x1b];
	[sflag:s11] =	ssyncadd.s32 $0xFFFFFF80  }
0x220: {  	[tilespmem:s15], [sflag:$0x1] =	stream.indirect.gather [spmem:s2], $0x1, s10, s14, $0xb8;
	[tilespmem:$0x4980] =	vst v63  }
0x221: {  	_ =	swait.ge [sflag:s11], $0x80  }
0x222: {  	[sflag:s11] =	ssyncset.done $0x0  }
0x223: {  	s12 =	rddreg [dreg:$0x1c];
	[sflag:s11] =	ssyncadd.s32 $0xFFFFFF80  }
0x224: {  	[spmem:s3] =	stream.indirect.scatter.add.f32 [tilespmem:s15], [sflag:$0x1], $0x1, s12, s14, $0xb8;
	[tilespmem:$0x4980] =	vst v63  }
0x225: {  	_ =	swait.ge [sflag:s11], $0x80  }
0x226: {  	[sflag:s11] =	ssyncset.done $0x0  }
0x227: {  	[sflag:s11] =	ssyncadd.s32 $0xFFFFFF80  }
0x228: {  	[tilespmem:s15], [sflag:$0x1] =	stream.indirect.gather [spmem:s2], $0x1, s16, s14, $0xb8;
	[tilespmem:$0x4980] =	vst v63  }
0x229: {  	_ =	swait.ge [sflag:s11], $0x80  }
0x22a: {  	[sflag:s11] =	ssyncset.done $0x0  }
0x22b: {  	[sflag:s11] =	ssyncadd.s32 $0xFFFFFF80  }
0x22c: {  	[spmem:s3] =	stream.indirect.scatter.add.f32 [tilespmem:s15], [sflag:$0x1], $0x1, s17, s14, $0xb8;
	[tilespmem:$0x4980] =	vst v63  }
0x22d: {  	_ =	swait.ge [sflag:s11], $0x80  }
0x22e: {  	[sflag:s11] =	ssyncset.done $0x0  }
0x22f: {  	[sflag:s11] =	ssyncadd.s32 $0xFFFFFF80  }
0x230: {  	[tilespmem:s15], [sflag:$0x1] =	stream.indirect.gather [spmem:s2], $0x1, s18, s14, $0xb8;
	[tilespmem:$0x4980] =	vst v63  }
0x231: {  	_ =	swait.ge [sflag:s11], $0x80  }
0x232: {  	[sflag:s11] =	ssyncset.done $0x0  }
0x233: {  	[sflag:s11] =	ssyncadd.s32 $0xFFFFFF80  }
0x234: {  	[spmem:s3] =	stream.indirect.scatter.add.f32 [tilespmem:s15], [sflag:$0x1], $0x1, s19, s14, $0xb8;
	[tilespmem:$0x4980] =	vst v63  }
0x235: {  	_ =	swait.ge [sflag:s11], $0x80  }
0x236: {  	[sflag:s11] =	ssyncset.done $0x0  }
0x237: {  	[sflag:s11] =	ssyncadd.s32 $0xFFFFFF80  }
0x238: {  	[tilespmem:s15], [sflag:$0x1] =	stream.indirect.gather [spmem:s2], $0x1, s20, s14, $0xb8;
	[tilespmem:$0x4980] =	vst v63  }
0x239: {  	_ =	swait.ge [sflag:s11], $0x80  }
0x23a: {  	[sflag:s11] =	ssyncset.done $0x0  }
0x23b: {  	[sflag:s11] =	ssyncadd.s32 $0xFFFFFF80  }
0x23c: {  	[spmem:s3] =	stream.indirect.scatter.add.f32 [tilespmem:s15], [sflag:$0x1], $0x1, s21, s14, $0xb8;
	[tilespmem:$0x4980] =	vst v63  }
0x23d: {  	_ =	swait.ge [sflag:s11], $0x80  }
0x23e: {  	[sflag:s11] =	ssyncset.done $0x0  }
0x23f: {  	[sflag:s11] =	ssyncadd.s32 $0xFFFFFF80  }
0x240: {  	[tilespmem:s15], [sflag:$0x1] =	stream.indirect.gather [spmem:s2], $0x1, s22, s14, $0xb8;
	[tilespmem:$0x4980] =	vst v63  }
0x241: {  	_ =	swait.ge [sflag:s11], $0x80  }
0x242: {  	[sflag:s11] =	ssyncset.done $0x0  }
0x243: {  	[sflag:s11] =	ssyncadd.s32 $0xFFFFFF80  }
0x244: {  	[spmem:s3] =	stream.indirect.scatter.add.f32 [tilespmem:s15], [sflag:$0x1], $0x1, s23, s14, $0xb8;
	[tilespmem:$0x4980] =	vst v63  }
0x245: {  	_ =	swait.ge [sflag:s11], $0x80  }
0x246: {  	[sflag:s11] =	ssyncset.done $0x0  }
0x247: {  	[sflag:s11] =	ssyncadd.s32 $0xFFFFFF80  }
0x248: {  	[tilespmem:s15], [sflag:$0x1] =	stream.indirect.gather [spmem:s2], $0x1, s24, s14, $0xb8;
	[tilespmem:$0x4980] =	vst v63  }
0x249: {  	_ =	swait.ge [sflag:s11], $0x80  }
0x24a: {  	[sflag:s11] =	ssyncset.done $0x0  }
0x24b: {  	[sflag:s11] =	ssyncadd.s32 $0xFFFFFF80  }
0x24c: {  	[spmem:s3] =	stream.indirect.scatter.add.f32 [tilespmem:s15], [sflag:$0x1], $0x1, s25, s14, $0xb8;
	[tilespmem:$0x4980] =	vst v63  }
0x24d: {  	_ =	swait.ge [sflag:s11], $0x80  }
0x24e: {  	[sflag:s11] =	ssyncset.done $0x0  }
0x24f: {  	[sflag:s11] =	ssyncadd.s32 $0xFFFFFF80  }
0x250: {  	[tilespmem:s15], [sflag:$0x1] =	stream.indirect.gather [spmem:s2], $0x1, s26, s14, $0xb8;
	[tilespmem:$0x4980] =	vst v63  }
0x251: {  	_ =	swait.ge [sflag:s11], $0x80  }
0x252: {  	[sflag:s11] =	ssyncset.done $0x0  }
0x253: {  	[sflag:s11] =	ssyncadd.s32 $0xFFFFFF80  }
0x254: {  	[spmem:s3] =	stream.indirect.scatter.add.f32 [tilespmem:s15], [sflag:$0x1], $0x1, s28, s14, $0xb8;
	[tilespmem:$0x4980] =	vst v63  }
0x255: {  	_ =	swait.ge [sflag:s11], $0x80  }
0x256: {  	[sflag:s11] =	ssyncset.done $0x0  }
0x257: {  	[sflag:s11] =	ssyncadd.s32 $0xFFFFFF80  }
0x258: {  	[tilespmem:s15], [sflag:$0x1] =	stream.indirect.gather [spmem:s2], $0x1, s29, s14, $0xb8;
	[tilespmem:$0x4980] =	vst v63  }
0x259: {  	_ =	swait.ge [sflag:s11], $0x80  }
0x25a: {  	[sflag:s11] =	ssyncset.done $0x0  }
0x25b: {  	[sflag:s11] =	ssyncadd.s32 $0xFFFFFF80  }
0x25c: {  	[spmem:s3] =	stream.indirect.scatter.add.f32 [tilespmem:s15], [sflag:$0x1], $0x1, s30, s14, $0xb8;
	[tilespmem:$0x4980] =	vst v63  }
0x25d: {  	_ =	swait.ge [sflag:s11], $0x80  }
0x25e: {  	[sflag:s11] =	ssyncset.done $0x0  }
0x25f: {  	[sflag:s11] =	ssyncadd.s32 $0xFFFFFF80  }
0x260: {  	[tilespmem:s15], [sflag:$0x1] =	stream.indirect.gather [spmem:s2], $0x1, s31, s14, $0xb8;
	[tilespmem:$0x4980] =	vst v63  }
0x261: {  	_ =	swait.ge [sflag:s11], $0x80  }
0x262: {  	[sflag:s11] =	ssyncset.done $0x0  }
0x263: {  	[sflag:s11] =	ssyncadd.s32 $0xFFFFFF80  }
0x264: {  	[spmem:s3] =	stream.indirect.scatter.add.f32 [tilespmem:s15], [sflag:$0x1], $0x1, s1, s14, $0xb8;
	[tilespmem:$0x4980] =	vst v63  }
0x265: {  	_ =	swait.ge [sflag:s11], $0x80  }
0x266: {  	[sflag:s11] =	ssyncset.done $0x0  }
0x267: {  	[sflag:s11] =	ssyncadd.s32 $0xFFFFFF80  }
0x268: {  	[tilespmem:s15], [sflag:$0x1] =	stream.indirect.gather [spmem:s2], $0x1, s0, s14, $0xb8;
	[tilespmem:$0x4980] =	vst v63  }
0x269: {  	_ =	swait.ge [sflag:s11], $0x80  }
0x26a: {  	[sflag:s11] =	ssyncset.done $0x0  }
0x26b: {  	[sflag:s11] =	ssyncadd.s32 $0xFFFFFF80  }
0x26c: {  	[spmem:s3] =	stream.indirect.scatter.add.f32 [tilespmem:s15], [sflag:$0x1], $0x1, s5, s14, $0xb8;
	[tilespmem:$0x4980] =	vst v63  }
0x26d: {  	_ =	swait.ge [sflag:s11], $0x80  }
0x26e: {  	[sflag:s11] =	ssyncset.done $0x0  }
0x26f: {  	[sflag:s11] =	ssyncadd.s32 $0xFFFFFF80  }
0x270: {  	[tilespmem:s15], [sflag:$0x1] =	stream.indirect.gather [spmem:s2], $0x1, s7, s14, $0xb8;
	[tilespmem:$0x4980] =	vst v63  }
0x271: {  	_ =	swait.ge [sflag:s11], $0x80  }
0x272: {  	[sflag:s11] =	ssyncset.done $0x0  }
0x273: {  	[sflag:s11] =	ssyncadd.s32 $0xFFFFFF80  }
0x274: {  	[spmem:s3] =	stream.indirect.scatter.add.f32 [tilespmem:s15], [sflag:$0x1], $0x1, s8, s14, $0xb8;
	[tilespmem:$0x4980] =	vst v63  }
0x275: {  	_ =	swait.ge [sflag:s11], $0x80  }
0x276: {  	[sflag:s11] =	ssyncset.done $0x0  }
0x277: {  	[sflag:s11] =	ssyncadd.s32 $0xFFFFFF80  }
0x278: {  	[bflag:$0x0] =	sbarrier.arrive $0xFFFF  }
0x279: {  	s6 =	sld [smem:$0x7FA]  }
0x27a: {  	s12 =	sld [smem:$0x7FD];
	_ =	sdelay $0x1  }
0x27b: {  	s9 =	simm.s32 $0x10;
	s10 =	simm.s32 $0x20;
	s16 =	rddreg [dreg:$0x1e]  }
0x27c: {  	[hbm:s6@s10], [sflag:s16] =	dma.strided [spmem:s12@s9], $0x310, s11, $0x10   }
0x27d: {  	_ =	swait.ge [sflag:s11], $0x310  }
0x27e: {  	s6 =	sld [smem:$0x7F9]  }
0x27f: {  	s10 =	sld [smem:$0x7FB];
	_ =	sdelay $0x1  }
0x280: {  	s9 =	sadd.s32 $0x1, s6  }
0x281: {  	p0 =	sne.s32 s9, s10  }
.Ltmp1:
0x282: {  	_ = 	snop;
	(pc) =	sbr.rel @p0 .LBB2_1-.Ltmp1, $3  }
0x283: {  	_ =	sdelay $0x1  }
0x284: {  	[sflag:s11] =	ssyncset.done $0x0  }
0x285: {  	s16 =	simm.s32 $0x1280;
	[sflag:s11] =	ssyncadd.s32 $0xFFFFFCF0  }
0x286: {  	_ =	sfence.sel $0x180000  }
0x287: {  	[bflag:$0x0] =	sbarrier.arrive $0xFFFF  }
0x288: {  	_ =	strace $0x90000047  }
0x289: {  	s0 =	stileid.u32;
	[bflag:$0x2] =	sbarrier.arrive $0xFFFF  }
0x28a: {  	p0 =	sne.s32 s0, $0x0;
	s0 =	rddreg [dreg:$0x3]  }
0x28b: {  	s0 =	sadd.s32 @!p0 $0x100000, s0  }
0x28c: {  	[sflag:s0] =	ssyncadd.tile.s32 @!p0 $0x1;
	_ =	shalt  }
.Lfunc_end2:
_tile_overlayer_lowered:
.L_overlay_start_2:
0x28d: {  	(tag) =	ssettag $0x2  }
0x28e: {  	s0 =	rddreg [dreg:$0x0];
	s2 =	stileid.u32  }
0x28f: {  	s1 =	rddreg [dreg:$0x1];
	p0 =	sne.s32 s2, $0x0  }
0x290: {  	s3 =	rddreg [dreg:$0x2];
	[bflag:$0x3] =	sbarrier.arrive $0xFFFF;
	s2 =	simm.s32 @!p0 $0x1C01  }
0x291: {  	[timem:s3], [sflag:s2] =	dma.local @!p0 [hbm:s0], s1  }
0x292: {  	s0 =	simm.s32 @!p0 $0x1  }
0x293: {  	_ =	swait.ge @!p0 [sflag:s0], s1  }
0x294: {  	s1 =	ssub.s32 @!p0 $0x0, s1;
	[sflag:s0] =	ssyncset.done @!p0 $0x0  }
0x295: {  	[sflag:s0] =	ssyncadd.s32 @!p0 s1  }
0x296: {  	[bflag:$0x3] =	sbarrier.arrive $0xFFFF  }
0x297: {  	_ =	shalt  }

</sc_bundles>
